<compile_context>
chip_gen: v7x
topology: tpu7x:2x2x1
jax: 0.10.2.dev20260603
libtpu: 0.0.44.dev20260713+nightly
codegen_flags: <defaults>
</compile_context>

<pallas_src>
import jax
import jax.numpy as jnp
from jax import lax
from jax.experimental import pallas as pl
from jax.experimental.pallas import tpu as pltpu
from jax.experimental.pallas import tpu_sc as plsc

N = 10000
D = 256
H = 128
E = 160000

NC, NS, L = 2, 16, 16
NW = NC * NS

EPAD = 163840
CHUNK = 128
NCHUNK = EPAD // NS // CHUNK
DEG_E = EPAD // NW
NPAD = 10240
STRIPE = NPAD // NS
NSLC = NPAD // NW
BLK = 512
GRID = NPAD // BLK

_mesh = plsc.VectorSubcoreMesh(
    core_axis_name="c", subcore_axis_name="s", num_cores=NC, num_subcores=NS)
_sc_params = pltpu.CompilerParams(needs_layout_passes=False)


def _deg_body(dst_hbm, out_hbm, dst_v, acc_v):
    wid = lax.axis_index("c") * NS + lax.axis_index("s")
    pltpu.sync_copy(dst_hbm.at[wid], dst_v)

    def zero(i, _):
        acc_v[pl.ds(i * L, L)] = jnp.zeros((L,), jnp.float32)
        return 0
    lax.fori_loop(0, NPAD // L, zero, 0)

    ones = jnp.ones((L,), jnp.float32)

    def body(i, _):
        idx = dst_v[pl.ds(i * L, L)]
        plsc.addupdate_scatter(acc_v, [idx], ones)
        return 0
    lax.fori_loop(0, DEG_E // L, body, 0)
    pltpu.sync_copy(acc_v, out_hbm.at[pl.ds(wid * NPAD, NPAD)])


def _degree(dst_grouped):
    f = pl.kernel(
        _deg_body,
        out_type=jax.ShapeDtypeStruct((NW * NPAD,), jnp.float32),
        mesh=_mesh,
        compiler_params=_sc_params,
        scratch_types=[
            pltpu.VMEM((DEG_E,), jnp.int32),
            pltpu.VMEM((NPAD,), jnp.float32),
        ],
    )
    return f(dst_grouped)


def _dinv_body(part_hbm, out_hbm, buf_v, dinv_v):
    wid = lax.axis_index("c") * NS + lax.axis_index("s")

    def fetch(r, _):
        pltpu.sync_copy(part_hbm.at[pl.ds(r * NPAD + wid * NSLC, NSLC)],
                        buf_v.at[pl.ds(r * NSLC, NSLC)])
        return 0
    lax.fori_loop(0, NW, fetch, 0)

    def col(t, _):
        def red(r, a):
            return a + buf_v[pl.ds(r * NSLC + t * L, L)]
        deg = lax.fori_loop(0, NW, red, jnp.zeros((L,), jnp.float32))
        x = deg + 1.0
        i = plsc.bitcast(x, jnp.int32)
        y = plsc.bitcast(jnp.int32(0x5F3759DF) - (i >> 1), jnp.float32)
        hx = 0.5 * x
        y = y * (1.5 - hx * y * y)
        y = y * (1.5 - hx * y * y)
        y = y * (1.5 - hx * y * y)
        dinv_v[pl.ds(t * L, L)] = y
        return 0
    lax.fori_loop(0, NSLC // L, col, 0)
    pltpu.sync_copy(dinv_v, out_hbm.at[pl.ds(wid * NSLC, NSLC)])


def _dinv(partials):
    f = pl.kernel(
        _dinv_body,
        out_type=jax.ShapeDtypeStruct((NPAD,), jnp.float32),
        mesh=_mesh,
        compiler_params=_sc_params,
        scratch_types=[
            pltpu.VMEM((NW * NSLC,), jnp.float32),
            pltpu.VMEM((NSLC,), jnp.float32),
        ],
    )
    return f(partials)


NBUF = 2


def _agg_body(table_hbm, src_hbm, dst_hbm, zeros_hbm, out_hbm,
              src_v, dst0, dst1, rows0, rows1,
              gsem0, gsem1, dsem0, dsem1, ssem0, ssem1, acc_sh):
    c = lax.axis_index("c")
    s = lax.axis_index("s")
    pltpu.sync_copy(src_hbm.at[c * NS + s], src_v)

    pltpu.sync_copy(zeros_hbm, acc_sh.at[pl.ds(s * STRIPE, STRIPE)])
    plsc.subcore_barrier()

    rows = (rows0, rows1)
    dstb = (dst0, dst1)
    gsem = (gsem0, gsem1)
    dsem = (dsem0, dsem1)
    drow = s * NCHUNK

    for b in range(NBUF):
        pltpu.async_copy(table_hbm.at[src_v.at[b]], rows[b], gsem[b])
        pltpu.async_copy(dst_hbm.at[drow + b], dstb[b].at[0], dsem[b])

    def step(i, _):
        for b in range(NBUF):
            j = i * NBUF + b
            pltpu.make_async_copy(
                table_hbm.at[src_v.at[j]], rows[b], gsem[b]).wait()
            pltpu.make_async_copy(
                dst_hbm.at[drow + j], dstb[b].at[0], dsem[b]).wait()
            pltpu.sync_copy(rows[b], acc_sh.at[dstb[b].at[0]], add=True)

            @pl.when(j < NCHUNK - NBUF)
            def _():
                pltpu.async_copy(
                    table_hbm.at[src_v.at[j + NBUF]], rows[b], gsem[b])
                pltpu.async_copy(
                    dst_hbm.at[drow + j + NBUF], dstb[b].at[0], dsem[b])
        return 0
    lax.fori_loop(0, NCHUNK // NBUF, step, 0)

    plsc.subcore_barrier()
    pltpu.sync_copy(acc_sh.at[pl.ds(s * STRIPE, STRIPE)],
                    out_hbm.at[pl.ds(c * NPAD + s * STRIPE, STRIPE)])


def _aggregate(table, src4, dst3, zeros):
    f = pl.kernel(
        _agg_body,
        out_type=jax.ShapeDtypeStruct((NC * NPAD, H), jnp.float32),
        mesh=_mesh,
        compiler_params=_sc_params,
        scratch_types=[
            pltpu.VMEM((NCHUNK, CHUNK), jnp.int32),
            pltpu.VMEM((1, CHUNK), jnp.int32),
            pltpu.VMEM((1, CHUNK), jnp.int32),
            pltpu.VMEM((CHUNK, H), jnp.float32),
            pltpu.VMEM((CHUNK, H), jnp.float32),
            pltpu.SemaphoreType.DMA,
            pltpu.SemaphoreType.DMA,
            pltpu.SemaphoreType.DMA,
            pltpu.SemaphoreType.DMA,
            pltpu.SemaphoreType.DMA,
            pltpu.SemaphoreType.DMA,
            pltpu.VMEM_SHARED((NPAD, H), jnp.float32),
        ],
    )
    return f(table, src4, dst3, zeros)


def _mm1_body(x_ref, w_ref, dinv_ref, z_ref):
    z = jnp.dot(x_ref[...], w_ref[...],
                preferred_element_type=jnp.float32) * dinv_ref[...]
    z_ref[0] = z[:, :H]
    z_ref[1] = z[:, H:]


def _mm1(x, w, dinv):
    return pl.pallas_call(
        _mm1_body,
        grid=(GRID,),
        in_specs=[
            pl.BlockSpec((BLK, D), lambda i: (i, 0)),
            pl.BlockSpec((D, D), lambda i: (0, 0)),
            pl.BlockSpec((BLK, 1), lambda i: (i, 0)),
        ],
        out_specs=pl.BlockSpec((2, BLK, H), lambda i: (0, i, 0)),
        out_shape=jax.ShapeDtypeStruct((2, NPAD, H), jnp.float32),
    )(x, w, dinv)


def _combine_mm_body(s0_ref, s1_ref, z_ref, dinv_ref, b_ref, w_ref,
                     x1_ref, z2_ref):
    dinv = dinv_ref[...]
    agg = jnp.concatenate([s0_ref[...], s1_ref[...]], axis=1)
    zl = jnp.concatenate([z_ref[0], z_ref[1]], axis=1)
    x1 = jax.nn.relu((agg + zl) * dinv + b_ref[...])
    x1_ref[...] = x1
    z2 = jnp.dot(x1, w_ref[...],
                 preferred_element_type=jnp.float32) * dinv
    z2_ref[0] = z2[:, :H]
    z2_ref[1] = z2[:, H:]


def _combine_mm(s_flat, z, dinv, b, w):
    return pl.pallas_call(
        _combine_mm_body,
        grid=(GRID,),
        in_specs=[
            pl.BlockSpec((BLK, H), lambda i: (i, 0)),
            pl.BlockSpec((BLK, H), lambda i: (i + GRID, 0)),
            pl.BlockSpec((2, BLK, H), lambda i: (0, i, 0)),
            pl.BlockSpec((BLK, 1), lambda i: (i, 0)),
            pl.BlockSpec((1, D), lambda i: (0, 0)),
            pl.BlockSpec((D, D), lambda i: (0, 0)),
        ],
        out_specs=[
            pl.BlockSpec((BLK, D), lambda i: (i, 0)),
            pl.BlockSpec((2, BLK, H), lambda i: (0, i, 0)),
        ],
        out_shape=[
            jax.ShapeDtypeStruct((NPAD, D), jnp.float32),
            jax.ShapeDtypeStruct((2, NPAD, H), jnp.float32),
        ],
    )(s_flat, s_flat, z, dinv, b, w)


def _final_body(s0_ref, s1_ref, z_ref, dinv_ref, b_ref, x1_ref,
                x2_ref, y2_ref):
    agg = jnp.concatenate([s0_ref[...], s1_ref[...]], axis=1)
    zl = jnp.concatenate([z_ref[0], z_ref[1]], axis=1)
    x2 = jax.nn.relu((agg + zl) * dinv_ref[...] + b_ref[...])
    x2_ref[...] = x2
    y2_ref[...] = x2 - x1_ref[...]


def _final(s_flat, z, dinv, b, x1):
    return pl.pallas_call(
        _final_body,
        grid=(GRID,),
        in_specs=[
            pl.BlockSpec((BLK, H), lambda i: (i, 0)),
            pl.BlockSpec((BLK, H), lambda i: (i + GRID, 0)),
            pl.BlockSpec((2, BLK, H), lambda i: (0, i, 0)),
            pl.BlockSpec((BLK, 1), lambda i: (i, 0)),
            pl.BlockSpec((1, D), lambda i: (0, 0)),
            pl.BlockSpec((BLK, D), lambda i: (i, 0)),
        ],
        out_specs=[
            pl.BlockSpec((BLK, D), lambda i: (i, 0)),
            pl.BlockSpec((BLK, D), lambda i: (i, 0)),
        ],
        out_shape=[
            jax.ShapeDtypeStruct((NPAD, D), jnp.float32),
            jax.ShapeDtypeStruct((NPAD, D), jnp.float32),
        ],
    )(s_flat, s_flat, z, dinv, b, x1)


def kernel(X0, Y0, edge_index, W1, b1, W2, b2):
    del Y0
    src = edge_index[0].astype(jnp.int32)
    dst = edge_index[1].astype(jnp.int32)
    pad = EPAD - E
    src_pad = jnp.concatenate([src, jnp.zeros((pad,), jnp.int32)])
    dst_pad = jnp.concatenate([dst, jnp.full((pad,), N, jnp.int32)])
    src3 = src_pad.reshape(NS, NCHUNK, CHUNK)
    src4 = jnp.concatenate([src3, src3 + NPAD]).reshape(NW, NCHUNK, CHUNK)
    dst3 = dst_pad.reshape(NS * NCHUNK, CHUNK)
    dst_deg = dst_pad.reshape(NW, DEG_E)
    zeros = jnp.zeros((STRIPE, H), jnp.float32)
    x0p = jnp.pad(X0, ((0, NPAD - N), (0, 0)))
    b1r = b1.reshape(1, D)
    b2r = b2.reshape(1, D)

    parts = _degree(dst_deg)
    dinv = _dinv(parts).reshape(NPAD, 1)

    z1 = _mm1(x0p, W1, dinv)
    s1 = _aggregate(z1.reshape(NC * NPAD, H), src4, dst3, zeros)
    x1, z2 = _combine_mm(s1, z1, dinv, b1r, W2)
    s2 = _aggregate(z2.reshape(NC * NPAD, H), src4, dst3, zeros)
    x2, y2 = _final(s2, z2, dinv, b2r, x1)
    return (x2[:N], y2[:N])

# --- scband reference (transcript-rebuilt; emitter-appended) ---
"""Pipeline reference for scband-graph-con-67920612819699 (READ-ONLY COPY).

The authoritative reference and input builder live on the scoring server;
editing this copy changes nothing except your own understanding.
"""

import jax, jax.numpy as jnp
import numpy as np

N_NODES = 10000
N_EDGES = 160000
D = 256
DT = 1.0
ALPHA = 1.0
GAMMA = 1.0

def setup_inputs(seed: int = 0) -> dict:
    key = jax.random.key(seed)
    k1, k2, k3, k4, k5 = jax.random.split(key, 5)
    X0 = jax.random.normal(k1, (N_NODES, D), dtype=jnp.float32)
    Y0 = jax.random.normal(k2, (N_NODES, D), dtype=jnp.float32)
    edge_index = jax.random.randint(k3, (2, N_EDGES), 0, N_NODES, dtype=jnp.int64)
    # GCNConv parameters for the two stacked GNN layers (glorot-ish scale)
    scale = 1.0 / np.sqrt(D)
    W1 = jax.random.normal(k4, (D, D), dtype=jnp.float32) * scale
    b1 = jnp.zeros((D,), dtype=jnp.float32)
    W2 = jax.random.normal(k5, (D, D), dtype=jnp.float32) * scale
    b2 = jnp.zeros((D,), dtype=jnp.float32)
    return {"X0": X0, "Y0": Y0, "edge_index": edge_index, "W1": W1, "b1": b1, "W2": W2, "b2": b2}

def _gcn_conv(x, edge_index, W, b):
    # PyG-style GCNConv: add self-loops, symmetric normalization, scatter-add aggregation
    n = x.shape[0]
    loop = jnp.arange(n, dtype=edge_index.dtype)
    src = jnp.concatenate([edge_index[0], loop])
    dst = jnp.concatenate([edge_index[1], loop])
    deg = jnp.zeros((n,), dtype=x.dtype).at[dst].add(1.0)
    dinv = jax.lax.rsqrt(deg)  # deg >= 1 thanks to self-loops
    norm = dinv[src] * dinv[dst]
    xw = x @ W
    msg = jnp.take(xw, src, axis=0) * norm[:, None]
    out = jnp.zeros_like(xw).at[dst].add(msg)
    return out + b

def reference(X0, Y0, edge_index, W1, b1, W2, b2):
    # GraphCON dynamics over a list of 2 GCN layers (eval mode: dropout is identity)
    for (W, b) in ((W1, b1), (W2, b2)):
        Y0 = Y0 + DT * (jax.nn.relu(_gcn_conv(X0, edge_index, W, b)) - ALPHA * Y0 - GAMMA * X0)
        X0 = X0 + DT * Y0
    return (X0, Y0)

if __name__ == "__main__":
    import jax
    _d = setup_inputs()
    print(jax.jit(kernel)(*tuple(_d.values())))

</pallas_src>

<mosaic_0001>
#map = affine_map<(d0, d1) -> (0, 0)>
#map1 = affine_map<(d0, d1) -> (0)>
module attributes {stable_mosaic.version = 14 : i64} {
  func.func @_deg_body(%arg0: i32, %arg1: i32, %arg2: memref<32x5120xi32, #tpu.memory_space<hbm>>, %arg3: memref<327680xf32, #tpu.memory_space<hbm>>, %arg4: memref<5120xi32, #tpu.memory_space<vmem>>, %arg5: memref<10240xf32, #tpu.memory_space<vmem>>) attributes {dimension_semantics = [#tpu.dimension_semantics<core_parallel>, #tpu.dimension_semantics<subcore_parallel>], iteration_bounds = array<i64: 2, 16>, scalar_prefetch = 0 : i64, scratch_operands = 2 : i64, tpu.core_type = #tpu.core_type<sc_vector_subcore>, window_params = [{transform_indices = #map}, {transform_indices = #map1}]} {
    %mul3A = arith.constant 16 : i32
    %mul3A_0 = arith.muli %arg0, %mul3A : i32
    %add3A = arith.addi %mul3A_0, %arg1 : i32
    "tpu.region"() ({
      %run_scoped3A = tpu.sem_alloc : memref<!tpu.dma_semaphore, #tpu.memory_space<semaphore_mem>>
      %dma_start3A = arith.constant 0 : i32
      %dma_start3A_17 = tpu.memref_slice %arg2[%add3A, %dma_start3A] : memref<32x5120xi32, #tpu.memory_space<hbm>> -> memref<1x5120xi32, #tpu.memory_space<hbm>>
      %dma_start3A_18 = tpu.memref_squeeze %dma_start3A_17 : memref<1x5120xi32, #tpu.memory_space<hbm>> -> memref<5120xi32, #tpu.memory_space<hbm>>
      %dma_start3A_19 = arith.constant 0 : i32
      %dma_start3A_20 = tpu.memref_slice %arg2[%add3A, %dma_start3A_19] : memref<32x5120xi32, #tpu.memory_space<hbm>> -> memref<1x5120xi32, #tpu.memory_space<hbm>>
      %dma_start3A_21 = tpu.memref_squeeze %dma_start3A_20 : memref<1x5120xi32, #tpu.memory_space<hbm>> -> memref<5120xi32, #tpu.memory_space<hbm>>
      tpu.enqueue_dma source(%dma_start3A_21 : memref<5120xi32, #tpu.memory_space<hbm>>) target(%arg4 : memref<5120xi32, #tpu.memory_space<vmem>>) target_semaphore(%run_scoped3A : memref<!tpu.dma_semaphore, #tpu.memory_space<semaphore_mem>>)
      %dma_wait3A = arith.constant 0 : i32
      %dma_wait3A_22 = tpu.memref_slice %arg2[%add3A, %dma_wait3A] : memref<32x5120xi32, #tpu.memory_space<hbm>> -> memref<1x5120xi32, #tpu.memory_space<hbm>>
      %dma_wait3A_23 = tpu.memref_squeeze %dma_wait3A_22 : memref<1x5120xi32, #tpu.memory_space<hbm>> -> memref<5120xi32, #tpu.memory_space<hbm>>
      %dma_wait3A_24 = arith.constant 0 : i32
      %dma_wait3A_25 = tpu.memref_slice %arg2[%add3A, %dma_wait3A_24] : memref<32x5120xi32, #tpu.memory_space<hbm>> -> memref<1x5120xi32, #tpu.memory_space<hbm>>
      %dma_wait3A_26 = tpu.memref_squeeze %dma_wait3A_25 : memref<1x5120xi32, #tpu.memory_space<hbm>> -> memref<5120xi32, #tpu.memory_space<hbm>>
      tpu.wait_dma2 semaphore(%run_scoped3A : memref<!tpu.dma_semaphore, #tpu.memory_space<semaphore_mem>>) src(%dma_wait3A_26 : memref<5120xi32, #tpu.memory_space<hbm>>) dst(%arg4 : memref<5120xi32, #tpu.memory_space<vmem>>)
      tpu.yield
    }) : () -> ()
    %scan3A = arith.constant 0 : i32
    %scan3A_1 = arith.constant 0 : i32
    %scan3A_2 = arith.constant 640 : i32
    %scan3A_3 = arith.addi %scan3A_1, %scan3A_2 : i32
    %scan3A_4 = arith.constant 1 : i32
    %scan3A_5 = scf.for %scan3A_17 = %scan3A_1 to %scan3A_3 step %scan3A_4 iter_args(%scan3A_18 = %scan3A) -> (i32)  : i32 {
      %broadcast_in_dim3A_19 = arith.constant 0.000000e+00 : f32
      %broadcast_in_dim3A_20 = vector.broadcast %broadcast_in_dim3A_19 : f32 to vector<16xf32>
      %mul3A_21 = arith.constant 16 : i32
      %mul3A_22 = arith.muli %scan3A_17, %mul3A_21 : i32
      %swap3A = arith.index_cast %mul3A_22 : i32 to index
      %swap3A_23 = tpu.vector_load %arg5[%swap3A] {strides = array<i32>} : memref<10240xf32, #tpu.memory_space<vmem>>, vector<16xf32>,
      tpu.vector_store %arg5[%swap3A], %broadcast_in_dim3A_20 {strides = array<i32>} : memref<10240xf32, #tpu.memory_space<vmem>>, vector<16xf32>,
      %scan3A_24 = arith.constant 0 : i32
      scf.yield %scan3A_24 : i32
    }
    %scan3A_6 = arith.constant 640 : i32
    %broadcast_in_dim3A = arith.constant 1.000000e+00 : f32
    %broadcast_in_dim3A_7 = vector.broadcast %broadcast_in_dim3A : f32 to vector<16xf32>
    %scan3A_8 = arith.constant 0 : i32
    %scan3A_9 = arith.constant 0 : i32
    %scan3A_10 = arith.constant 320 : i32
    %scan3A_11 = arith.addi %scan3A_9, %scan3A_10 : i32
    %scan3A_12 = arith.constant 1 : i32
    %scan3A_13 = scf.for %scan3A_17 = %scan3A_9 to %scan3A_11 step %scan3A_12 iter_args(%scan3A_18 = %scan3A_8) -> (i32)  : i32 {
      %mul3A_19 = arith.constant 16 : i32
      %mul3A_20 = arith.muli %scan3A_17, %mul3A_19 : i32
      %get3A = arith.index_cast %mul3A_20 : i32 to index
      %get3A_21 = tpu.vector_load %arg4[%get3A] {strides = array<i32>} : memref<5120xi32, #tpu.memory_space<vmem>>, vector<16xi32>,
      tpu.vector_store_idx %arg5[%get3A_21], %broadcast_in_dim3A_7 {add = true} : memref<10240xf32, #tpu.memory_space<vmem>>[vector<16xi32>], vector<16xf32>,
      %scan3A_22 = arith.constant 0 : i32
      scf.yield %scan3A_22 : i32
    }
    %scan3A_14 = arith.constant 320 : i32
    %mul3A_15 = arith.constant 10240 : i32
    %mul3A_16 = arith.muli %add3A, %mul3A_15 : i32
    "tpu.region"() ({
      %run_scoped3A = tpu.sem_alloc : memref<!tpu.dma_semaphore, #tpu.memory_space<semaphore_mem>>
      %dma_start3A = tpu.memref_slice %arg3[%mul3A_16] : memref<327680xf32, #tpu.memory_space<hbm>> -> memref<10240xf32, #tpu.memory_space<hbm>>
      %dma_start3A_17 = tpu.memref_slice %arg3[%mul3A_16] : memref<327680xf32, #tpu.memory_space<hbm>> -> memref<10240xf32, #tpu.memory_space<hbm>>
      tpu.enqueue_dma source(%arg5 : memref<10240xf32, #tpu.memory_space<vmem>>) target(%dma_start3A_17 : memref<10240xf32, #tpu.memory_space<hbm>>) target_semaphore(%run_scoped3A : memref<!tpu.dma_semaphore, #tpu.memory_space<semaphore_mem>>)
      %dma_wait3A = tpu.memref_slice %arg3[%mul3A_16] : memref<327680xf32, #tpu.memory_space<hbm>> -> memref<10240xf32, #tpu.memory_space<hbm>>
      %dma_wait3A_18 = tpu.memref_slice %arg3[%mul3A_16] : memref<327680xf32, #tpu.memory_space<hbm>> -> memref<10240xf32, #tpu.memory_space<hbm>>
      tpu.wait_dma2 semaphore(%run_scoped3A : memref<!tpu.dma_semaphore, #tpu.memory_space<semaphore_mem>>) src(%arg5 : memref<10240xf32, #tpu.memory_space<vmem>>) dst(%dma_wait3A_18 : memref<10240xf32, #tpu.memory_space<hbm>>)
      tpu.yield
    }) : () -> ()
    return
  }
}

#map = affine_map<(d0, d1) -> (0)>
module attributes {stable_mosaic.version = 14 : i64} {
  func.func @_dinv_body(%arg0: i32, %arg1: i32, %arg2: memref<327680xf32, #tpu.memory_space<hbm>>, %arg3: memref<10240xf32, #tpu.memory_space<hbm>>, %arg4: memref<10240xf32, #tpu.memory_space<vmem>>, %arg5: memref<320xf32, #tpu.memory_space<vmem>>) attributes {dimension_semantics = [#tpu.dimension_semantics<core_parallel>, #tpu.dimension_semantics<subcore_parallel>], iteration_bounds = array<i64: 2, 16>, scalar_prefetch = 0 : i64, scratch_operands = 2 : i64, tpu.core_type = #tpu.core_type<sc_vector_subcore>, window_params = [{transform_indices = #map}, {transform_indices = #map}]} {
    %mul3A = arith.constant 16 : i32
    %mul3A_0 = arith.muli %arg0, %mul3A : i32
    %add3A = arith.addi %mul3A_0, %arg1 : i32
    %scan3A = arith.constant 0 : i32
    %scan3A_1 = arith.constant 0 : i32
    %scan3A_2 = arith.constant 32 : i32
    %scan3A_3 = arith.addi %scan3A_1, %scan3A_2 : i32
    %scan3A_4 = arith.constant 1 : i32
    %scan3A_5 = scf.for %scan3A_16 = %scan3A_1 to %scan3A_3 step %scan3A_4 iter_args(%scan3A_17 = %scan3A) -> (i32)  : i32 {
      %mul3A_18 = arith.constant 10240 : i32
      %mul3A_19 = arith.muli %scan3A_16, %mul3A_18 : i32
      %mul3A_20 = arith.constant 320 : i32
      %mul3A_21 = arith.muli %add3A, %mul3A_20 : i32
      %add3A_22 = arith.addi %mul3A_19, %mul3A_21 : i32
      %mul3A_23 = arith.constant 320 : i32
      %mul3A_24 = arith.muli %scan3A_16, %mul3A_23 : i32
      "tpu.region"() ({
        %run_scoped3A = tpu.sem_alloc : memref<!tpu.dma_semaphore, #tpu.memory_space<semaphore_mem>>
        %dma_start3A = tpu.memref_slice %arg4[%mul3A_24] : memref<10240xf32, #tpu.memory_space<vmem>> -> memref<320xf32, #tpu.memory_space<vmem>>
        %dma_start3A_26 = tpu.memref_slice %arg2[%add3A_22] : memref<327680xf32, #tpu.memory_space<hbm>> -> memref<320xf32, #tpu.memory_space<hbm>>
        %dma_start3A_27 = tpu.memref_slice %arg4[%mul3A_24] : memref<10240xf32, #tpu.memory_space<vmem>> -> memref<320xf32, #tpu.memory_space<vmem>>
        %dma_start3A_28 = tpu.memref_slice %arg2[%add3A_22] : memref<327680xf32, #tpu.memory_space<hbm>> -> memref<320xf32, #tpu.memory_space<hbm>>
        tpu.enqueue_dma source(%dma_start3A_28 : memref<320xf32, #tpu.memory_space<hbm>>) target(%dma_start3A_27 : memref<320xf32, #tpu.memory_space<vmem>>) target_semaphore(%run_scoped3A : memref<!tpu.dma_semaphore, #tpu.memory_space<semaphore_mem>>)
        %dma_wait3A = tpu.memref_slice %arg4[%mul3A_24] : memref<10240xf32, #tpu.memory_space<vmem>> -> memref<320xf32, #tpu.memory_space<vmem>>
        %dma_wait3A_29 = tpu.memref_slice %arg2[%add3A_22] : memref<327680xf32, #tpu.memory_space<hbm>> -> memref<320xf32, #tpu.memory_space<hbm>>
        %dma_wait3A_30 = tpu.memref_slice %arg4[%mul3A_24] : memref<10240xf32, #tpu.memory_space<vmem>> -> memref<320xf32, #tpu.memory_space<vmem>>
        %dma_wait3A_31 = tpu.memref_slice %arg2[%add3A_22] : memref<327680xf32, #tpu.memory_space<hbm>> -> memref<320xf32, #tpu.memory_space<hbm>>
        tpu.wait_dma2 semaphore(%run_scoped3A : memref<!tpu.dma_semaphore, #tpu.memory_space<semaphore_mem>>) src(%dma_wait3A_31 : memref<320xf32, #tpu.memory_space<hbm>>) dst(%dma_wait3A_30 : memref<320xf32, #tpu.memory_space<vmem>>)
        tpu.yield
      }) : () -> ()
      %scan3A_25 = arith.constant 0 : i32
      scf.yield %scan3A_25 : i32
    }
    %scan3A_6 = arith.constant 32 : i32
    %scan3A_7 = arith.constant 0 : i32
    %scan3A_8 = arith.constant 0 : i32
    %scan3A_9 = arith.constant 20 : i32
    %scan3A_10 = arith.addi %scan3A_8, %scan3A_9 : i32
    %scan3A_11 = arith.constant 1 : i32
    %scan3A_12 = scf.for %scan3A_16 = %scan3A_8 to %scan3A_10 step %scan3A_11 iter_args(%scan3A_17 = %scan3A_7) -> (i32)  : i32 {
      %broadcast_in_dim3A = arith.constant 0.000000e+00 : f32
      %broadcast_in_dim3A_18 = vector.broadcast %broadcast_in_dim3A : f32 to vector<16xf32>
      %scan3A_19 = arith.constant 0 : i32
      %scan3A_20 = arith.constant 32 : i32
      %scan3A_21 = arith.addi %scan3A_19, %scan3A_20 : i32
      %scan3A_22 = arith.constant 1 : i32
      %scan3A_23 = scf.for %scan3A_58 = %scan3A_19 to %scan3A_21 step %scan3A_22 iter_args(%scan3A_59 = %broadcast_in_dim3A_18) -> (vector<16xf32>)  : i32 {
        %mul3A_60 = arith.constant 320 : i32
        %mul3A_61 = arith.muli %scan3A_58, %mul3A_60 : i32
        %mul3A_62 = arith.constant 16 : i32
        %mul3A_63 = arith.muli %scan3A_16, %mul3A_62 : i32
        %add3A_64 = arith.addi %mul3A_61, %mul3A_63 : i32
        %get3A = arith.index_cast %add3A_64 : i32 to index
        %get3A_65 = tpu.vector_load %arg4[%get3A] {strides = array<i32>} : memref<10240xf32, #tpu.memory_space<vmem>>, vector<16xf32>,
        %add3A_66 = arith.addf %scan3A_59, %get3A_65 : vector<16xf32>
        scf.yield %add3A_66 : vector<16xf32>
      }
      %scan3A_24 = arith.constant 32 : i32
      %add3A_25 = arith.constant 1.000000e+00 : f32
      %add3A_26 = vector.broadcast %add3A_25 : f32 to vector<16xf32>
      %add3A_27 = arith.addf %scan3A_23, %add3A_26 : vector<16xf32>
      %bitcast3A = vector.bitcast %add3A_27 : vector<16xf32> to vector<16xi32>
      %shift_right_arithmetic3A = arith.constant 1 : i32
      %shift_right_arithmetic3A_28 = vector.broadcast %shift_right_arithmetic3A : i32 to vector<16xi32>
      %shift_right_arithmetic3A_29 = arith.shrsi %bitcast3A, %shift_right_arithmetic3A_28 : vector<16xi32>
      %sub3A = arith.constant 1597463007 : i32
      %sub3A_30 = vector.broadcast %sub3A : i32 to vector<16xi32>
      %sub3A_31 = arith.subi %sub3A_30, %shift_right_arithmetic3A_29 : vector<16xi32>
      %bitcast3A_32 = vector.bitcast %sub3A_31 : vector<16xi32> to vector<16xf32>
      %mul3A_33 = arith.constant 5.000000e-01 : f32
      %mul3A_34 = vector.broadcast %mul3A_33 : f32 to vector<16xf32>
      %mul3A_35 = arith.mulf %mul3A_34, %add3A_27 : vector<16xf32>
      %mul3A_36 = arith.mulf %mul3A_35, %bitcast3A_32 : vector<16xf32>
      %mul3A_37 = arith.mulf %mul3A_36, %bitcast3A_32 : vector<16xf32>
      %sub3A_38 = arith.constant 1.500000e+00 : f32
      %sub3A_39 = vector.broadcast %sub3A_38 : f32 to vector<16xf32>
      %sub3A_40 = arith.subf %sub3A_39, %mul3A_37 : vector<16xf32>
      %mul3A_41 = arith.mulf %bitcast3A_32, %sub3A_40 : vector<16xf32>
      %mul3A_42 = arith.mulf %mul3A_35, %mul3A_41 : vector<16xf32>
      %mul3A_43 = arith.mulf %mul3A_42, %mul3A_41 : vector<16xf32>
      %sub3A_44 = arith.constant 1.500000e+00 : f32
      %sub3A_45 = vector.broadcast %sub3A_44 : f32 to vector<16xf32>
      %sub3A_46 = arith.subf %sub3A_45, %mul3A_43 : vector<16xf32>
      %mul3A_47 = arith.mulf %mul3A_41, %sub3A_46 : vector<16xf32>
      %mul3A_48 = arith.mulf %mul3A_35, %mul3A_47 : vector<16xf32>
      %mul3A_49 = arith.mulf %mul3A_48, %mul3A_47 : vector<16xf32>
      %sub3A_50 = arith.constant 1.500000e+00 : f32
      %sub3A_51 = vector.broadcast %sub3A_50 : f32 to vector<16xf32>
      %sub3A_52 = arith.subf %sub3A_51, %mul3A_49 : vector<16xf32>
      %mul3A_53 = arith.mulf %mul3A_47, %sub3A_52 : vector<16xf32>
      %mul3A_54 = arith.constant 16 : i32
      %mul3A_55 = arith.muli %scan3A_16, %mul3A_54 : i32
      %swap3A = arith.index_cast %mul3A_55 : i32 to index
      %swap3A_56 = tpu.vector_load %arg5[%swap3A] {strides = array<i32>} : memref<320xf32, #tpu.memory_space<vmem>>, vector<16xf32>,
      tpu.vector_store %arg5[%swap3A], %mul3A_53 {strides = array<i32>} : memref<320xf32, #tpu.memory_space<vmem>>, vector<16xf32>,
      %scan3A_57 = arith.constant 0 : i32
      scf.yield %scan3A_57 : i32
    }
    %scan3A_13 = arith.constant 20 : i32
    %mul3A_14 = arith.constant 320 : i32
    %mul3A_15 = arith.muli %add3A, %mul3A_14 : i32
    "tpu.region"() ({
      %run_scoped3A = tpu.sem_alloc : memref<!tpu.dma_semaphore, #tpu.memory_space<semaphore_mem>>
      %dma_start3A = tpu.memref_slice %arg3[%mul3A_15] : memref<10240xf32, #tpu.memory_space<hbm>> -> memref<320xf32, #tpu.memory_space<hbm>>
      %dma_start3A_16 = tpu.memref_slice %arg3[%mul3A_15] : memref<10240xf32, #tpu.memory_space<hbm>> -> memref<320xf32, #tpu.memory_space<hbm>>
      tpu.enqueue_dma source(%arg5 : memref<320xf32, #tpu.memory_space<vmem>>) target(%dma_start3A_16 : memref<320xf32, #tpu.memory_space<hbm>>) target_semaphore(%run_scoped3A : memref<!tpu.dma_semaphore, #tpu.memory_space<semaphore_mem>>)
      %dma_wait3A = tpu.memref_slice %arg3[%mul3A_15] : memref<10240xf32, #tpu.memory_space<hbm>> -> memref<320xf32, #tpu.memory_space<hbm>>
      %dma_wait3A_17 = tpu.memref_slice %arg3[%mul3A_15] : memref<10240xf32, #tpu.memory_space<hbm>> -> memref<320xf32, #tpu.memory_space<hbm>>
      tpu.wait_dma2 semaphore(%run_scoped3A : memref<!tpu.dma_semaphore, #tpu.memory_space<semaphore_mem>>) src(%arg5 : memref<320xf32, #tpu.memory_space<vmem>>) dst(%dma_wait3A_17 : memref<320xf32, #tpu.memory_space<hbm>>)
      tpu.yield
    }) : () -> ()
    return
  }
}

#map = affine_map<(d0, d1) -> (0, 0)>
#map1 = affine_map<(d0, d1) -> (0, 0, 0)>
module attributes {stable_mosaic.version = 14 : i64} {
  func.func @_agg_body(%arg0: i32, %arg1: i32, %arg2: memref<20480x128xf32, #tpu.memory_space<hbm>>, %arg3: memref<32x80x128xi32, #tpu.memory_space<hbm>>, %arg4: memref<1280x128xi32, #tpu.memory_space<hbm>>, %arg5: memref<640x128xf32, #tpu.memory_space<hbm>>, %arg6: memref<20480x128xf32, #tpu.memory_space<hbm>>, %arg7: memref<80x128xi32, #tpu.memory_space<vmem>>, %arg8: memref<1x128xi32, #tpu.memory_space<vmem>>, %arg9: memref<1x128xi32, #tpu.memory_space<vmem>>, %arg10: memref<128x128xf32, #tpu.memory_space<vmem>>, %arg11: memref<128x128xf32, #tpu.memory_space<vmem>>, %arg12: memref<!tpu.dma_semaphore, #tpu.memory_space<semaphore_mem>>, %arg13: memref<!tpu.dma_semaphore, #tpu.memory_space<semaphore_mem>>, %arg14: memref<!tpu.dma_semaphore, #tpu.memory_space<semaphore_mem>>, %arg15: memref<!tpu.dma_semaphore, #tpu.memory_space<semaphore_mem>>, %arg16: memref<!tpu.dma_semaphore, #tpu.memory_space<semaphore_mem>>, %arg17: memref<!tpu.dma_semaphore, #tpu.memory_space<semaphore_mem>>, %arg18: memref<10240x128xf32, #tpu.memory_space<vmem_shared>>) attributes {dimension_semantics = [#tpu.dimension_semantics<core_parallel>, #tpu.dimension_semantics<subcore_parallel>], iteration_bounds = array<i64: 2, 16>, scalar_prefetch = 0 : i64, scratch_operands = 12 : i64, tpu.core_type = #tpu.core_type<sc_vector_subcore>, window_params = [{transform_indices = #map}, {transform_indices = #map1}, {transform_indices = #map}, {transform_indices = #map}, {transform_indices = #map}]} {
    %mul3A = arith.constant 16 : i32
    %mul3A_0 = arith.muli %arg0, %mul3A : i32
    %add3A = arith.addi %mul3A_0, %arg1 : i32
    "tpu.region"() ({
      %run_scoped3A = tpu.sem_alloc : memref<!tpu.dma_semaphore, #tpu.memory_space<semaphore_mem>>
      %dma_start3A_62 = arith.constant 0 : i32
      %dma_start3A_63 = arith.constant 0 : i32
      %dma_start3A_64 = tpu.memref_slice %arg3[%add3A, %dma_start3A_62, %dma_start3A_63] : memref<32x80x128xi32, #tpu.memory_space<hbm>> -> memref<1x80x128xi32, #tpu.memory_space<hbm>>
      %dma_start3A_65 = tpu.memref_squeeze %dma_start3A_64 : memref<1x80x128xi32, #tpu.memory_space<hbm>> -> memref<80x128xi32, #tpu.memory_space<hbm>>
      %dma_start3A_66 = arith.constant 0 : i32
      %dma_start3A_67 = arith.constant 0 : i32
      %dma_start3A_68 = tpu.memref_slice %arg3[%add3A, %dma_start3A_66, %dma_start3A_67] : memref<32x80x128xi32, #tpu.memory_space<hbm>> -> memref<1x80x128xi32, #tpu.memory_space<hbm>>
      %dma_start3A_69 = tpu.memref_squeeze %dma_start3A_68 : memref<1x80x128xi32, #tpu.memory_space<hbm>> -> memref<80x128xi32, #tpu.memory_space<hbm>>
      tpu.enqueue_dma source(%dma_start3A_69 : memref<80x128xi32, #tpu.memory_space<hbm>>) target(%arg7 : memref<80x128xi32, #tpu.memory_space<vmem>>) target_semaphore(%run_scoped3A : memref<!tpu.dma_semaphore, #tpu.memory_space<semaphore_mem>>)
      %dma_wait3A = arith.constant 0 : i32
      %dma_wait3A_70 = arith.constant 0 : i32
      %dma_wait3A_71 = tpu.memref_slice %arg3[%add3A, %dma_wait3A, %dma_wait3A_70] : memref<32x80x128xi32, #tpu.memory_space<hbm>> -> memref<1x80x128xi32, #tpu.memory_space<hbm>>
      %dma_wait3A_72 = tpu.memref_squeeze %dma_wait3A_71 : memref<1x80x128xi32, #tpu.memory_space<hbm>> -> memref<80x128xi32, #tpu.memory_space<hbm>>
      %dma_wait3A_73 = arith.constant 0 : i32
      %dma_wait3A_74 = arith.constant 0 : i32
      %dma_wait3A_75 = tpu.memref_slice %arg3[%add3A, %dma_wait3A_73, %dma_wait3A_74] : memref<32x80x128xi32, #tpu.memory_space<hbm>> -> memref<1x80x128xi32, #tpu.memory_space<hbm>>
      %dma_wait3A_76 = tpu.memref_squeeze %dma_wait3A_75 : memref<1x80x128xi32, #tpu.memory_space<hbm>> -> memref<80x128xi32, #tpu.memory_space<hbm>>
      tpu.wait_dma2 semaphore(%run_scoped3A : memref<!tpu.dma_semaphore, #tpu.memory_space<semaphore_mem>>) src(%dma_wait3A_76 : memref<80x128xi32, #tpu.memory_space<hbm>>) dst(%arg7 : memref<80x128xi32, #tpu.memory_space<vmem>>)
      tpu.yield
    }) : () -> ()
    %mul3A_1 = arith.constant 640 : i32
    %mul3A_2 = arith.muli %arg1, %mul3A_1 : i32
    "tpu.region"() ({
      %run_scoped3A = tpu.sem_alloc : memref<!tpu.dma_semaphore, #tpu.memory_space<semaphore_mem>>
      %dma_start3A_62 = arith.constant 0 : i32
      %dma_start3A_63 = tpu.memref_slice %arg18[%mul3A_2, %dma_start3A_62] : memref<10240x128xf32, #tpu.memory_space<vmem_shared>> -> memref<640x128xf32, #tpu.memory_space<vmem_shared>>
      tpu.enqueue_dma source(%arg5 : memref<640x128xf32, #tpu.memory_space<hbm>>) target(%dma_start3A_63 : memref<640x128xf32, #tpu.memory_space<vmem_shared>>) target_semaphore(%run_scoped3A : memref<!tpu.dma_semaphore, #tpu.memory_space<semaphore_mem>>)
      %dma_wait3A = arith.constant 0 : i32
      %dma_wait3A_64 = tpu.memref_slice %arg18[%mul3A_2, %dma_wait3A] : memref<10240x128xf32, #tpu.memory_space<vmem_shared>> -> memref<640x128xf32, #tpu.memory_space<vmem_shared>>
      tpu.wait_dma2 semaphore(%run_scoped3A : memref<!tpu.dma_semaphore, #tpu.memory_space<semaphore_mem>>) src(%arg5 : memref<640x128xf32, #tpu.memory_space<hbm>>) dst(%dma_wait3A_64 : memref<640x128xf32, #tpu.memory_space<vmem_shared>>)
      tpu.yield
    }) : () -> ()
    %barrier3A = arith.constant 0 : index
    tpu.barrier barrier_id(%barrier3A)
    %mul3A_3 = arith.constant 80 : i32
    %mul3A_4 = arith.muli %arg1, %mul3A_3 : i32
    %dma_start3A = arith.constant 0 : i32
    %dma_start3A_5 = arith.constant 0 : i32
    %dma_start3A_6 = tpu.memref_slice %arg7[%dma_start3A, %dma_start3A_5] : memref<80x128xi32, #tpu.memory_space<vmem>> -> memref<1x128xi32, #tpu.memory_space<vmem>>
    %dma_start3A_7 = tpu.memref_squeeze %dma_start3A_6 : memref<1x128xi32, #tpu.memory_space<vmem>> -> memref<128xi32, #tpu.memory_space<vmem>>
    %dma_start3A_8 = arith.constant 0 : i32
    %dma_start3A_9 = arith.constant 0 : i32
    %dma_start3A_10 = tpu.memref_slice %arg2[%dma_start3A_8, %dma_start3A_9] : memref<20480x128xf32, #tpu.memory_space<hbm>> -> memref<20480x128xf32, #tpu.memory_space<hbm>>
    tpu.enqueue_indirect_dma source(%dma_start3A_10 : memref<20480x128xf32, #tpu.memory_space<hbm>>) target(%arg10 : memref<128x128xf32, #tpu.memory_space<vmem>>) offsets(%dma_start3A_7 : memref<128xi32, #tpu.memory_space<vmem>>) semaphore(%arg12 : memref<!tpu.dma_semaphore, #tpu.memory_space<semaphore_mem>>)
    %add3A_11 = arith.constant 0 : i32
    %add3A_12 = arith.addi %mul3A_4, %add3A_11 : i32
    %dma_start3A_13 = arith.constant 0 : i32
    %dma_start3A_14 = arith.constant 0 : i32
    %dma_start3A_15 = tpu.memref_slice %arg8[%dma_start3A_13, %dma_start3A_14] : memref<1x128xi32, #tpu.memory_space<vmem>> -> memref<1x128xi32, #tpu.memory_space<vmem>>
    %dma_start3A_16 = tpu.memref_squeeze %dma_start3A_15 : memref<1x128xi32, #tpu.memory_space<vmem>> -> memref<128xi32, #tpu.memory_space<vmem>>
    %dma_start3A_17 = arith.constant 0 : i32
    %dma_start3A_18 = tpu.memref_slice %arg4[%add3A_12, %dma_start3A_17] : memref<1280x128xi32, #tpu.memory_space<hbm>> -> memref<1x128xi32, #tpu.memory_space<hbm>>
    %dma_start3A_19 = tpu.memref_squeeze %dma_start3A_18 : memref<1x128xi32, #tpu.memory_space<hbm>> -> memref<128xi32, #tpu.memory_space<hbm>>
    %dma_start3A_20 = arith.constant 0 : i32
    %dma_start3A_21 = tpu.memref_slice %arg8[%dma_start3A_13, %dma_start3A_20] : memref<1x128xi32, #tpu.memory_space<vmem>> -> memref<1x128xi32, #tpu.memory_space<vmem>>
    %dma_start3A_22 = tpu.memref_squeeze %dma_start3A_21 : memref<1x128xi32, #tpu.memory_space<vmem>> -> memref<128xi32, #tpu.memory_space<vmem>>
    %dma_start3A_23 = arith.constant 0 : i32
    %dma_start3A_24 = tpu.memref_slice %arg4[%add3A_12, %dma_start3A_23] : memref<1280x128xi32, #tpu.memory_space<hbm>> -> memref<1x128xi32, #tpu.memory_space<hbm>>
    %dma_start3A_25 = tpu.memref_squeeze %dma_start3A_24 : memref<1x128xi32, #tpu.memory_space<hbm>> -> memref<128xi32, #tpu.memory_space<hbm>>
    tpu.enqueue_dma source(%dma_start3A_25 : memref<128xi32, #tpu.memory_space<hbm>>) target(%dma_start3A_22 : memref<128xi32, #tpu.memory_space<vmem>>) target_semaphore(%arg14 : memref<!tpu.dma_semaphore, #tpu.memory_space<semaphore_mem>>)
    %dma_start3A_26 = arith.constant 1 : i32
    %dma_start3A_27 = arith.constant 0 : i32
    %dma_start3A_28 = tpu.memref_slice %arg7[%dma_start3A_26, %dma_start3A_27] : memref<80x128xi32, #tpu.memory_space<vmem>> -> memref<1x128xi32, #tpu.memory_space<vmem>>
    %dma_start3A_29 = tpu.memref_squeeze %dma_start3A_28 : memref<1x128xi32, #tpu.memory_space<vmem>> -> memref<128xi32, #tpu.memory_space<vmem>>
    %dma_start3A_30 = arith.constant 0 : i32
    %dma_start3A_31 = arith.constant 0 : i32
    %dma_start3A_32 = tpu.memref_slice %arg2[%dma_start3A_30, %dma_start3A_31] : memref<20480x128xf32, #tpu.memory_space<hbm>> -> memref<20480x128xf32, #tpu.memory_space<hbm>>
    tpu.enqueue_indirect_dma source(%dma_start3A_32 : memref<20480x128xf32, #tpu.memory_space<hbm>>) target(%arg11 : memref<128x128xf32, #tpu.memory_space<vmem>>) offsets(%dma_start3A_29 : memref<128xi32, #tpu.memory_space<vmem>>) semaphore(%arg13 : memref<!tpu.dma_semaphore, #tpu.memory_space<semaphore_mem>>)
    %add3A_33 = arith.constant 1 : i32
    %add3A_34 = arith.addi %mul3A_4, %add3A_33 : i32
    %dma_start3A_35 = arith.constant 0 : i32
    %dma_start3A_36 = arith.constant 0 : i32
    %dma_start3A_37 = tpu.memref_slice %arg9[%dma_start3A_35, %dma_start3A_36] : memref<1x128xi32, #tpu.memory_space<vmem>> -> memref<1x128xi32, #tpu.memory_space<vmem>>
    %dma_start3A_38 = tpu.memref_squeeze %dma_start3A_37 : memref<1x128xi32, #tpu.memory_space<vmem>> -> memref<128xi32, #tpu.memory_space<vmem>>
    %dma_start3A_39 = arith.constant 0 : i32
    %dma_start3A_40 = tpu.memref_slice %arg4[%add3A_34, %dma_start3A_39] : memref<1280x128xi32, #tpu.memory_space<hbm>> -> memref<1x128xi32, #tpu.memory_space<hbm>>
    %dma_start3A_41 = tpu.memref_squeeze %dma_start3A_40 : memref<1x128xi32, #tpu.memory_space<hbm>> -> memref<128xi32, #tpu.memory_space<hbm>>
    %dma_start3A_42 = arith.constant 0 : i32
    %dma_start3A_43 = tpu.memref_slice %arg9[%dma_start3A_35, %dma_start3A_42] : memref<1x128xi32, #tpu.memory_space<vmem>> -> memref<1x128xi32, #tpu.memory_space<vmem>>
    %dma_start3A_44 = tpu.memref_squeeze %dma_start3A_43 : memref<1x128xi32, #tpu.memory_space<vmem>> -> memref<128xi32, #tpu.memory_space<vmem>>
    %dma_start3A_45 = arith.constant 0 : i32
    %dma_start3A_46 = tpu.memref_slice %arg4[%add3A_34, %dma_start3A_45] : memref<1280x128xi32, #tpu.memory_space<hbm>> -> memref<1x128xi32, #tpu.memory_space<hbm>>
    %dma_start3A_47 = tpu.memref_squeeze %dma_start3A_46 : memref<1x128xi32, #tpu.memory_space<hbm>> -> memref<128xi32, #tpu.memory_space<hbm>>
    tpu.enqueue_dma source(%dma_start3A_47 : memref<128xi32, #tpu.memory_space<hbm>>) target(%dma_start3A_44 : memref<128xi32, #tpu.memory_space<vmem>>) target_semaphore(%arg15 : memref<!tpu.dma_semaphore, #tpu.memory_space<semaphore_mem>>)
    %scan3A = arith.constant 0 : i32
    %scan3A_48 = arith.constant 0 : i32
    %scan3A_49 = arith.constant 40 : i32
    %scan3A_50 = arith.addi %scan3A_48, %scan3A_49 : i32
    %scan3A_51 = arith.constant 1 : i32
    %scan3A_52 = scf.for %scan3A_62 = %scan3A_48 to %scan3A_50 step %scan3A_51 iter_args(%scan3A_63 = %scan3A) -> (i32)  : i32 {
      %mul3A_64 = arith.constant 2 : i32
      %mul3A_65 = arith.muli %scan3A_62, %mul3A_64 : i32
      %add3A_66 = arith.constant 0 : i32
      %add3A_67 = arith.addi %mul3A_65, %add3A_66 : i32
      %dma_wait3A = arith.constant 0 : i32
      %dma_wait3A_68 = tpu.memref_slice %arg7[%add3A_67, %dma_wait3A] : memref<80x128xi32, #tpu.memory_space<vmem>> -> memref<1x128xi32, #tpu.memory_space<vmem>>
      %dma_wait3A_69 = tpu.memref_squeeze %dma_wait3A_68 : memref<1x128xi32, #tpu.memory_space<vmem>> -> memref<128xi32, #tpu.memory_space<vmem>>
      %dma_wait3A_70 = arith.constant 0 : i32
      %dma_wait3A_71 = arith.constant 0 : i32
      %dma_wait3A_72 = tpu.memref_slice %arg2[%dma_wait3A_70, %dma_wait3A_71] : memref<20480x128xf32, #tpu.memory_space<hbm>> -> memref<20480x128xf32, #tpu.memory_space<hbm>>
      tpu.wait_indirect_dma semaphore(%arg12 : memref<!tpu.dma_semaphore, #tpu.memory_space<semaphore_mem>>) src(%dma_wait3A_72 : memref<20480x128xf32, #tpu.memory_space<hbm>>) dst(%arg10 : memref<128x128xf32, #tpu.memory_space<vmem>>)
      %add3A_73 = arith.addi %mul3A_4, %add3A_67 : i32
      %dma_wait3A_74 = arith.constant 0 : i32
      %dma_wait3A_75 = arith.constant 0 : i32
      %dma_wait3A_76 = tpu.memref_slice %arg8[%dma_wait3A_74, %dma_wait3A_75] : memref<1x128xi32, #tpu.memory_space<vmem>> -> memref<1x128xi32, #tpu.memory_space<vmem>>
      %dma_wait3A_77 = tpu.memref_squeeze %dma_wait3A_76 : memref<1x128xi32, #tpu.memory_space<vmem>> -> memref<128xi32, #tpu.memory_space<vmem>>
      %dma_wait3A_78 = arith.constant 0 : i32
      %dma_wait3A_79 = tpu.memref_slice %arg4[%add3A_73, %dma_wait3A_78] : memref<1280x128xi32, #tpu.memory_space<hbm>> -> memref<1x128xi32, #tpu.memory_space<hbm>>
      %dma_wait3A_80 = tpu.memref_squeeze %dma_wait3A_79 : memref<1x128xi32, #tpu.memory_space<hbm>> -> memref<128xi32, #tpu.memory_space<hbm>>
      %dma_wait3A_81 = arith.constant 0 : i32
      %dma_wait3A_82 = tpu.memref_slice %arg8[%dma_wait3A_74, %dma_wait3A_81] : memref<1x128xi32, #tpu.memory_space<vmem>> -> memref<1x128xi32, #tpu.memory_space<vmem>>
      %dma_wait3A_83 = tpu.memref_squeeze %dma_wait3A_82 : memref<1x128xi32, #tpu.memory_space<vmem>> -> memref<128xi32, #tpu.memory_space<vmem>>
      %dma_wait3A_84 = arith.constant 0 : i32
      %dma_wait3A_85 = tpu.memref_slice %arg4[%add3A_73, %dma_wait3A_84] : memref<1280x128xi32, #tpu.memory_space<hbm>> -> memref<1x128xi32, #tpu.memory_space<hbm>>
      %dma_wait3A_86 = tpu.memref_squeeze %dma_wait3A_85 : memref<1x128xi32, #tpu.memory_space<hbm>> -> memref<128xi32, #tpu.memory_space<hbm>>
      tpu.wait_dma2 semaphore(%arg14 : memref<!tpu.dma_semaphore, #tpu.memory_space<semaphore_mem>>) src(%dma_wait3A_86 : memref<128xi32, #tpu.memory_space<hbm>>) dst(%dma_wait3A_83 : memref<128xi32, #tpu.memory_space<vmem>>)
      %run_scoped3A = arith.constant 0 : i32
      "tpu.region"() ({
        %run_scoped3A_120 = tpu.sem_alloc : memref<!tpu.dma_semaphore, #tpu.memory_space<semaphore_mem>>
        %dma_start3A_121 = arith.constant 0 : i32
        %dma_start3A_122 = tpu.memref_slice %arg8[%run_scoped3A, %dma_start3A_121] : memref<1x128xi32, #tpu.memory_space<vmem>> -> memref<1x128xi32, #tpu.memory_space<vmem>>
        %dma_start3A_123 = tpu.memref_squeeze %dma_start3A_122 : memref<1x128xi32, #tpu.memory_space<vmem>> -> memref<128xi32, #tpu.memory_space<vmem>>
        %dma_start3A_124 = arith.constant 0 : i32
        %dma_start3A_125 = arith.constant 0 : i32
        %dma_start3A_126 = tpu.memref_slice %arg18[%dma_start3A_124, %dma_start3A_125] : memref<10240x128xf32, #tpu.memory_space<vmem_shared>> -> memref<10240x128xf32, #tpu.memory_space<vmem_shared>>
        tpu.enqueue_indirect_dma source(%arg10 : memref<128x128xf32, #tpu.memory_space<vmem>>) target(%dma_start3A_126 : memref<10240x128xf32, #tpu.memory_space<vmem_shared>>) offsets(%dma_start3A_123 : memref<128xi32, #tpu.memory_space<vmem>>) semaphore(%run_scoped3A_120 : memref<!tpu.dma_semaphore, #tpu.memory_space<semaphore_mem>>) {add = true}
        %dma_wait3A_127 = arith.constant 0 : i32
        %dma_wait3A_128 = tpu.memref_slice %arg8[%run_scoped3A, %dma_wait3A_127] : memref<1x128xi32, #tpu.memory_space<vmem>> -> memref<1x128xi32, #tpu.memory_space<vmem>>
        %dma_wait3A_129 = tpu.memref_squeeze %dma_wait3A_128 : memref<1x128xi32, #tpu.memory_space<vmem>> -> memref<128xi32, #tpu.memory_space<vmem>>
        %dma_wait3A_130 = arith.constant 0 : i32
        %dma_wait3A_131 = arith.constant 0 : i32
        %dma_wait3A_132 = tpu.memref_slice %arg18[%dma_wait3A_130, %dma_wait3A_131] : memref<10240x128xf32, #tpu.memory_space<vmem_shared>> -> memref<10240x128xf32, #tpu.memory_space<vmem_shared>>
        tpu.wait_indirect_dma semaphore(%run_scoped3A_120 : memref<!tpu.dma_semaphore, #tpu.memory_space<semaphore_mem>>) src(%arg10 : memref<128x128xf32, #tpu.memory_space<vmem>>) dst(%dma_wait3A_132 : memref<10240x128xf32, #tpu.memory_space<vmem_shared>>)
        tpu.yield
      }) : () -> ()
      %lt3A = arith.constant 78 : i32
      %lt3A_87 = arith.cmpi slt, %add3A_67, %lt3A : i32
      %convert_element_type3A = arith.extui %lt3A_87 : i1 to i32
      %cond3A = arith.constant 0 : i32
      %cond3A_88 = arith.cmpi ne, %convert_element_type3A, %cond3A : i32
      scf.if %cond3A_88 {
        %add3A_120 = arith.constant 2 : i32
        %add3A_121 = arith.addi %add3A_67, %add3A_120 : i32
        %dma_start3A_122 = arith.constant 0 : i32
        %dma_start3A_123 = tpu.memref_slice %arg7[%add3A_121, %dma_start3A_122] : memref<80x128xi32, #tpu.memory_space<vmem>> -> memref<1x128xi32, #tpu.memory_space<vmem>>
        %dma_start3A_124 = tpu.memref_squeeze %dma_start3A_123 : memref<1x128xi32, #tpu.memory_space<vmem>> -> memref<128xi32, #tpu.memory_space<vmem>>
        %dma_start3A_125 = arith.constant 0 : i32
        %dma_start3A_126 = arith.constant 0 : i32
        %dma_start3A_127 = tpu.memref_slice %arg2[%dma_start3A_125, %dma_start3A_126] : memref<20480x128xf32, #tpu.memory_space<hbm>> -> memref<20480x128xf32, #tpu.memory_space<hbm>>
        tpu.enqueue_indirect_dma source(%dma_start3A_127 : memref<20480x128xf32, #tpu.memory_space<hbm>>) target(%arg10 : memref<128x128xf32, #tpu.memory_space<vmem>>) offsets(%dma_start3A_124 : memref<128xi32, #tpu.memory_space<vmem>>) semaphore(%arg12 : memref<!tpu.dma_semaphore, #tpu.memory_space<semaphore_mem>>)
        %add3A_128 = arith.addi %mul3A_4, %add3A_67 : i32
        %add3A_129 = arith.constant 2 : i32
        %add3A_130 = arith.addi %add3A_128, %add3A_129 : i32
        %dma_start3A_131 = arith.constant 0 : i32
        %dma_start3A_132 = arith.constant 0 : i32
        %dma_start3A_133 = tpu.memref_slice %arg8[%dma_start3A_131, %dma_start3A_132] : memref<1x128xi32, #tpu.memory_space<vmem>> -> memref<1x128xi32, #tpu.memory_space<vmem>>
        %dma_start3A_134 = tpu.memref_squeeze %dma_start3A_133 : memref<1x128xi32, #tpu.memory_space<vmem>> -> memref<128xi32, #tpu.memory_space<vmem>>
        %dma_start3A_135 = arith.constant 0 : i32
        %dma_start3A_136 = tpu.memref_slice %arg4[%add3A_130, %dma_start3A_135] : memref<1280x128xi32, #tpu.memory_space<hbm>> -> memref<1x128xi32, #tpu.memory_space<hbm>>
        %dma_start3A_137 = tpu.memref_squeeze %dma_start3A_136 : memref<1x128xi32, #tpu.memory_space<hbm>> -> memref<128xi32, #tpu.memory_space<hbm>>
        %dma_start3A_138 = arith.constant 0 : i32
        %dma_start3A_139 = tpu.memref_slice %arg8[%dma_start3A_131, %dma_start3A_138] : memref<1x128xi32, #tpu.memory_space<vmem>> -> memref<1x128xi32, #tpu.memory_space<vmem>>
        %dma_start3A_140 = tpu.memref_squeeze %dma_start3A_139 : memref<1x128xi32, #tpu.memory_space<vmem>> -> memref<128xi32, #tpu.memory_space<vmem>>
        %dma_start3A_141 = arith.constant 0 : i32
        %dma_start3A_142 = tpu.memref_slice %arg4[%add3A_130, %dma_start3A_141] : memref<1280x128xi32, #tpu.memory_space<hbm>> -> memref<1x128xi32, #tpu.memory_space<hbm>>
        %dma_start3A_143 = tpu.memref_squeeze %dma_start3A_142 : memref<1x128xi32, #tpu.memory_space<hbm>> -> memref<128xi32, #tpu.memory_space<hbm>>
        tpu.enqueue_dma source(%dma_start3A_143 : memref<128xi32, #tpu.memory_space<hbm>>) target(%dma_start3A_140 : memref<128xi32, #tpu.memory_space<vmem>>) target_semaphore(%arg14 : memref<!tpu.dma_semaphore, #tpu.memory_space<semaphore_mem>>)
      } else {
      }
      %mul3A_89 = arith.constant 2 : i32
      %mul3A_90 = arith.muli %scan3A_62, %mul3A_89 : i32
      %add3A_91 = arith.constant 1 : i32
      %add3A_92 = arith.addi %mul3A_90, %add3A_91 : i32
      %dma_wait3A_93 = arith.constant 0 : i32
      %dma_wait3A_94 = tpu.memref_slice %arg7[%add3A_92, %dma_wait3A_93] : memref<80x128xi32, #tpu.memory_space<vmem>> -> memref<1x128xi32, #tpu.memory_space<vmem>>
      %dma_wait3A_95 = tpu.memref_squeeze %dma_wait3A_94 : memref<1x128xi32, #tpu.memory_space<vmem>> -> memref<128xi32, #tpu.memory_space<vmem>>
      %dma_wait3A_96 = arith.constant 0 : i32
      %dma_wait3A_97 = arith.constant 0 : i32
      %dma_wait3A_98 = tpu.memref_slice %arg2[%dma_wait3A_96, %dma_wait3A_97] : memref<20480x128xf32, #tpu.memory_space<hbm>> -> memref<20480x128xf32, #tpu.memory_space<hbm>>
      tpu.wait_indirect_dma semaphore(%arg13 : memref<!tpu.dma_semaphore, #tpu.memory_space<semaphore_mem>>) src(%dma_wait3A_98 : memref<20480x128xf32, #tpu.memory_space<hbm>>) dst(%arg11 : memref<128x128xf32, #tpu.memory_space<vmem>>)
      %add3A_99 = arith.addi %mul3A_4, %add3A_92 : i32
      %dma_wait3A_100 = arith.constant 0 : i32
      %dma_wait3A_101 = arith.constant 0 : i32
      %dma_wait3A_102 = tpu.memref_slice %arg9[%dma_wait3A_100, %dma_wait3A_101] : memref<1x128xi32, #tpu.memory_space<vmem>> -> memref<1x128xi32, #tpu.memory_space<vmem>>
      %dma_wait3A_103 = tpu.memref_squeeze %dma_wait3A_102 : memref<1x128xi32, #tpu.memory_space<vmem>> -> memref<128xi32, #tpu.memory_space<vmem>>
      %dma_wait3A_104 = arith.constant 0 : i32
      %dma_wait3A_105 = tpu.memref_slice %arg4[%add3A_99, %dma_wait3A_104] : memref<1280x128xi32, #tpu.memory_space<hbm>> -> memref<1x128xi32, #tpu.memory_space<hbm>>
      %dma_wait3A_106 = tpu.memref_squeeze %dma_wait3A_105 : memref<1x128xi32, #tpu.memory_space<hbm>> -> memref<128xi32, #tpu.memory_space<hbm>>
      %dma_wait3A_107 = arith.constant 0 : i32
      %dma_wait3A_108 = tpu.memref_slice %arg9[%dma_wait3A_100, %dma_wait3A_107] : memref<1x128xi32, #tpu.memory_space<vmem>> -> memref<1x128xi32, #tpu.memory_space<vmem>>
      %dma_wait3A_109 = tpu.memref_squeeze %dma_wait3A_108 : memref<1x128xi32, #tpu.memory_space<vmem>> -> memref<128xi32, #tpu.memory_space<vmem>>
      %dma_wait3A_110 = arith.constant 0 : i32
      %dma_wait3A_111 = tpu.memref_slice %arg4[%add3A_99, %dma_wait3A_110] : memref<1280x128xi32, #tpu.memory_space<hbm>> -> memref<1x128xi32, #tpu.memory_space<hbm>>
      %dma_wait3A_112 = tpu.memref_squeeze %dma_wait3A_111 : memref<1x128xi32, #tpu.memory_space<hbm>> -> memref<128xi32, #tpu.memory_space<hbm>>
      tpu.wait_dma2 semaphore(%arg15 : memref<!tpu.dma_semaphore, #tpu.memory_space<semaphore_mem>>) src(%dma_wait3A_112 : memref<128xi32, #tpu.memory_space<hbm>>) dst(%dma_wait3A_109 : memref<128xi32, #tpu.memory_space<vmem>>)
      %run_scoped3A_113 = arith.constant 0 : i32
      "tpu.region"() ({
        %run_scoped3A_120 = tpu.sem_alloc : memref<!tpu.dma_semaphore, #tpu.memory_space<semaphore_mem>>
        %dma_start3A_121 = arith.constant 0 : i32
        %dma_start3A_122 = tpu.memref_slice %arg9[%run_scoped3A_113, %dma_start3A_121] : memref<1x128xi32, #tpu.memory_space<vmem>> -> memref<1x128xi32, #tpu.memory_space<vmem>>
        %dma_start3A_123 = tpu.memref_squeeze %dma_start3A_122 : memref<1x128xi32, #tpu.memory_space<vmem>> -> memref<128xi32, #tpu.memory_space<vmem>>
        %dma_start3A_124 = arith.constant 0 : i32
        %dma_start3A_125 = arith.constant 0 : i32
        %dma_start3A_126 = tpu.memref_slice %arg18[%dma_start3A_124, %dma_start3A_125] : memref<10240x128xf32, #tpu.memory_space<vmem_shared>> -> memref<10240x128xf32, #tpu.memory_space<vmem_shared>>
        tpu.enqueue_indirect_dma source(%arg11 : memref<128x128xf32, #tpu.memory_space<vmem>>) target(%dma_start3A_126 : memref<10240x128xf32, #tpu.memory_space<vmem_shared>>) offsets(%dma_start3A_123 : memref<128xi32, #tpu.memory_space<vmem>>) semaphore(%run_scoped3A_120 : memref<!tpu.dma_semaphore, #tpu.memory_space<semaphore_mem>>) {add = true}
        %dma_wait3A_127 = arith.constant 0 : i32
        %dma_wait3A_128 = tpu.memref_slice %arg9[%run_scoped3A_113, %dma_wait3A_127] : memref<1x128xi32, #tpu.memory_space<vmem>> -> memref<1x128xi32, #tpu.memory_space<vmem>>
        %dma_wait3A_129 = tpu.memref_squeeze %dma_wait3A_128 : memref<1x128xi32, #tpu.memory_space<vmem>> -> memref<128xi32, #tpu.memory_space<vmem>>
        %dma_wait3A_130 = arith.constant 0 : i32
        %dma_wait3A_131 = arith.constant 0 : i32
        %dma_wait3A_132 = tpu.memref_slice %arg18[%dma_wait3A_130, %dma_wait3A_131] : memref<10240x128xf32, #tpu.memory_space<vmem_shared>> -> memref<10240x128xf32, #tpu.memory_space<vmem_shared>>
        tpu.wait_indirect_dma semaphore(%run_scoped3A_120 : memref<!tpu.dma_semaphore, #tpu.memory_space<semaphore_mem>>) src(%arg11 : memref<128x128xf32, #tpu.memory_space<vmem>>) dst(%dma_wait3A_132 : memref<10240x128xf32, #tpu.memory_space<vmem_shared>>)
        tpu.yield
      }) : () -> ()
      %lt3A_114 = arith.constant 78 : i32
      %lt3A_115 = arith.cmpi slt, %add3A_92, %lt3A_114 : i32
      %convert_element_type3A_116 = arith.extui %lt3A_115 : i1 to i32
      %cond3A_117 = arith.constant 0 : i32
      %cond3A_118 = arith.cmpi ne, %convert_element_type3A_116, %cond3A_117 : i32
      scf.if %cond3A_118 {
        %add3A_120 = arith.constant 2 : i32
        %add3A_121 = arith.addi %add3A_92, %add3A_120 : i32
        %dma_start3A_122 = arith.constant 0 : i32
        %dma_start3A_123 = tpu.memref_slice %arg7[%add3A_121, %dma_start3A_122] : memref<80x128xi32, #tpu.memory_space<vmem>> -> memref<1x128xi32, #tpu.memory_space<vmem>>
        %dma_start3A_124 = tpu.memref_squeeze %dma_start3A_123 : memref<1x128xi32, #tpu.memory_space<vmem>> -> memref<128xi32, #tpu.memory_space<vmem>>
        %dma_start3A_125 = arith.constant 0 : i32
        %dma_start3A_126 = arith.constant 0 : i32
        %dma_start3A_127 = tpu.memref_slice %arg2[%dma_start3A_125, %dma_start3A_126] : memref<20480x128xf32, #tpu.memory_space<hbm>> -> memref<20480x128xf32, #tpu.memory_space<hbm>>
        tpu.enqueue_indirect_dma source(%dma_start3A_127 : memref<20480x128xf32, #tpu.memory_space<hbm>>) target(%arg11 : memref<128x128xf32, #tpu.memory_space<vmem>>) offsets(%dma_start3A_124 : memref<128xi32, #tpu.memory_space<vmem>>) semaphore(%arg13 : memref<!tpu.dma_semaphore, #tpu.memory_space<semaphore_mem>>)
        %add3A_128 = arith.addi %mul3A_4, %add3A_92 : i32
        %add3A_129 = arith.constant 2 : i32
        %add3A_130 = arith.addi %add3A_128, %add3A_129 : i32
        %dma_start3A_131 = arith.constant 0 : i32
        %dma_start3A_132 = arith.constant 0 : i32
        %dma_start3A_133 = tpu.memref_slice %arg9[%dma_start3A_131, %dma_start3A_132] : memref<1x128xi32, #tpu.memory_space<vmem>> -> memref<1x128xi32, #tpu.memory_space<vmem>>
        %dma_start3A_134 = tpu.memref_squeeze %dma_start3A_133 : memref<1x128xi32, #tpu.memory_space<vmem>> -> memref<128xi32, #tpu.memory_space<vmem>>
        %dma_start3A_135 = arith.constant 0 : i32
        %dma_start3A_136 = tpu.memref_slice %arg4[%add3A_130, %dma_start3A_135] : memref<1280x128xi32, #tpu.memory_space<hbm>> -> memref<1x128xi32, #tpu.memory_space<hbm>>
        %dma_start3A_137 = tpu.memref_squeeze %dma_start3A_136 : memref<1x128xi32, #tpu.memory_space<hbm>> -> memref<128xi32, #tpu.memory_space<hbm>>
        %dma_start3A_138 = arith.constant 0 : i32
        %dma_start3A_139 = tpu.memref_slice %arg9[%dma_start3A_131, %dma_start3A_138] : memref<1x128xi32, #tpu.memory_space<vmem>> -> memref<1x128xi32, #tpu.memory_space<vmem>>
        %dma_start3A_140 = tpu.memref_squeeze %dma_start3A_139 : memref<1x128xi32, #tpu.memory_space<vmem>> -> memref<128xi32, #tpu.memory_space<vmem>>
        %dma_start3A_141 = arith.constant 0 : i32
        %dma_start3A_142 = tpu.memref_slice %arg4[%add3A_130, %dma_start3A_141] : memref<1280x128xi32, #tpu.memory_space<hbm>> -> memref<1x128xi32, #tpu.memory_space<hbm>>
        %dma_start3A_143 = tpu.memref_squeeze %dma_start3A_142 : memref<1x128xi32, #tpu.memory_space<hbm>> -> memref<128xi32, #tpu.memory_space<hbm>>
        tpu.enqueue_dma source(%dma_start3A_143 : memref<128xi32, #tpu.memory_space<hbm>>) target(%dma_start3A_140 : memref<128xi32, #tpu.memory_space<vmem>>) target_semaphore(%arg15 : memref<!tpu.dma_semaphore, #tpu.memory_space<semaphore_mem>>)
      } else {
      }
      %scan3A_119 = arith.constant 0 : i32
      scf.yield %scan3A_119 : i32
    }
    %scan3A_53 = arith.constant 40 : i32
    %barrier3A_54 = arith.constant 0 : index
    tpu.barrier barrier_id(%barrier3A_54)
    %mul3A_55 = arith.constant 640 : i32
    %mul3A_56 = arith.muli %arg1, %mul3A_55 : i32
    %mul3A_57 = arith.constant 10240 : i32
    %mul3A_58 = arith.muli %arg0, %mul3A_57 : i32
    %mul3A_59 = arith.constant 640 : i32
    %mul3A_60 = arith.muli %arg1, %mul3A_59 : i32
    %add3A_61 = arith.addi %mul3A_58, %mul3A_60 : i32
    "tpu.region"() ({
      %run_scoped3A = tpu.sem_alloc : memref<!tpu.dma_semaphore, #tpu.memory_space<semaphore_mem>>
      %dma_start3A_62 = arith.constant 0 : i32
      %dma_start3A_63 = tpu.memref_slice %arg6[%add3A_61, %dma_start3A_62] : memref<20480x128xf32, #tpu.memory_space<hbm>> -> memref<640x128xf32, #tpu.memory_space<hbm>>
      %dma_start3A_64 = arith.constant 0 : i32
      %dma_start3A_65 = tpu.memref_slice %arg18[%mul3A_56, %dma_start3A_64] : memref<10240x128xf32, #tpu.memory_space<vmem_shared>> -> memref<640x128xf32, #tpu.memory_space<vmem_shared>>
      tpu.enqueue_dma source(%dma_start3A_65 : memref<640x128xf32, #tpu.memory_space<vmem_shared>>) target(%dma_start3A_63 : memref<640x128xf32, #tpu.memory_space<hbm>>) target_semaphore(%run_scoped3A : memref<!tpu.dma_semaphore, #tpu.memory_space<semaphore_mem>>)
      %dma_wait3A = arith.constant 0 : i32
      %dma_wait3A_66 = tpu.memref_slice %arg6[%add3A_61, %dma_wait3A] : memref<20480x128xf32, #tpu.memory_space<hbm>> -> memref<640x128xf32, #tpu.memory_space<hbm>>
      %dma_wait3A_67 = arith.constant 0 : i32
      %dma_wait3A_68 = tpu.memref_slice %arg18[%mul3A_56, %dma_wait3A_67] : memref<10240x128xf32, #tpu.memory_space<vmem_shared>> -> memref<640x128xf32, #tpu.memory_space<vmem_shared>>
      tpu.wait_dma2 semaphore(%run_scoped3A : memref<!tpu.dma_semaphore, #tpu.memory_space<semaphore_mem>>) src(%dma_wait3A_68 : memref<640x128xf32, #tpu.memory_space<vmem_shared>>) dst(%dma_wait3A_66 : memref<640x128xf32, #tpu.memory_space<hbm>>)
      tpu.yield
    }) : () -> ()
    return
  }
}

#map = affine_map<(d0, d1) -> (0, 0)>
#map1 = affine_map<(d0, d1) -> (0, 0, 0)>
module attributes {stable_mosaic.version = 14 : i64} {
  func.func @_agg_body(%arg0: i32, %arg1: i32, %arg2: memref<20480x128xf32, #tpu.memory_space<hbm>>, %arg3: memref<32x80x128xi32, #tpu.memory_space<hbm>>, %arg4: memref<1280x128xi32, #tpu.memory_space<hbm>>, %arg5: memref<640x128xf32, #tpu.memory_space<hbm>>, %arg6: memref<20480x128xf32, #tpu.memory_space<hbm>>, %arg7: memref<80x128xi32, #tpu.memory_space<vmem>>, %arg8: memref<1x128xi32, #tpu.memory_space<vmem>>, %arg9: memref<1x128xi32, #tpu.memory_space<vmem>>, %arg10: memref<128x128xf32, #tpu.memory_space<vmem>>, %arg11: memref<128x128xf32, #tpu.memory_space<vmem>>, %arg12: memref<!tpu.dma_semaphore, #tpu.memory_space<semaphore_mem>>, %arg13: memref<!tpu.dma_semaphore, #tpu.memory_space<semaphore_mem>>, %arg14: memref<!tpu.dma_semaphore, #tpu.memory_space<semaphore_mem>>, %arg15: memref<!tpu.dma_semaphore, #tpu.memory_space<semaphore_mem>>, %arg16: memref<!tpu.dma_semaphore, #tpu.memory_space<semaphore_mem>>, %arg17: memref<!tpu.dma_semaphore, #tpu.memory_space<semaphore_mem>>, %arg18: memref<10240x128xf32, #tpu.memory_space<vmem_shared>>) attributes {dimension_semantics = [#tpu.dimension_semantics<core_parallel>, #tpu.dimension_semantics<subcore_parallel>], iteration_bounds = array<i64: 2, 16>, scalar_prefetch = 0 : i64, scratch_operands = 12 : i64, tpu.core_type = #tpu.core_type<sc_vector_subcore>, window_params = [{transform_indices = #map}, {transform_indices = #map1}, {transform_indices = #map}, {transform_indices = #map}, {transform_indices = #map}]} {
    %mul3A = arith.constant 16 : i32
    %mul3A_0 = arith.muli %arg0, %mul3A : i32
    %add3A = arith.addi %mul3A_0, %arg1 : i32
    "tpu.region"() ({
      %run_scoped3A = tpu.sem_alloc : memref<!tpu.dma_semaphore, #tpu.memory_space<semaphore_mem>>
      %dma_start3A_62 = arith.constant 0 : i32
      %dma_start3A_63 = arith.constant 0 : i32
      %dma_start3A_64 = tpu.memref_slice %arg3[%add3A, %dma_start3A_62, %dma_start3A_63] : memref<32x80x128xi32, #tpu.memory_space<hbm>> -> memref<1x80x128xi32, #tpu.memory_space<hbm>>
      %dma_start3A_65 = tpu.memref_squeeze %dma_start3A_64 : memref<1x80x128xi32, #tpu.memory_space<hbm>> -> memref<80x128xi32, #tpu.memory_space<hbm>>
      %dma_start3A_66 = arith.constant 0 : i32
      %dma_start3A_67 = arith.constant 0 : i32
      %dma_start3A_68 = tpu.memref_slice %arg3[%add3A, %dma_start3A_66, %dma_start3A_67] : memref<32x80x128xi32, #tpu.memory_space<hbm>> -> memref<1x80x128xi32, #tpu.memory_space<hbm>>
      %dma_start3A_69 = tpu.memref_squeeze %dma_start3A_68 : memref<1x80x128xi32, #tpu.memory_space<hbm>> -> memref<80x128xi32, #tpu.memory_space<hbm>>
      tpu.enqueue_dma source(%dma_start3A_69 : memref<80x128xi32, #tpu.memory_space<hbm>>) target(%arg7 : memref<80x128xi32, #tpu.memory_space<vmem>>) target_semaphore(%run_scoped3A : memref<!tpu.dma_semaphore, #tpu.memory_space<semaphore_mem>>)
      %dma_wait3A = arith.constant 0 : i32
      %dma_wait3A_70 = arith.constant 0 : i32
      %dma_wait3A_71 = tpu.memref_slice %arg3[%add3A, %dma_wait3A, %dma_wait3A_70] : memref<32x80x128xi32, #tpu.memory_space<hbm>> -> memref<1x80x128xi32, #tpu.memory_space<hbm>>
      %dma_wait3A_72 = tpu.memref_squeeze %dma_wait3A_71 : memref<1x80x128xi32, #tpu.memory_space<hbm>> -> memref<80x128xi32, #tpu.memory_space<hbm>>
      %dma_wait3A_73 = arith.constant 0 : i32
      %dma_wait3A_74 = arith.constant 0 : i32
      %dma_wait3A_75 = tpu.memref_slice %arg3[%add3A, %dma_wait3A_73, %dma_wait3A_74] : memref<32x80x128xi32, #tpu.memory_space<hbm>> -> memref<1x80x128xi32, #tpu.memory_space<hbm>>
      %dma_wait3A_76 = tpu.memref_squeeze %dma_wait3A_75 : memref<1x80x128xi32, #tpu.memory_space<hbm>> -> memref<80x128xi32, #tpu.memory_space<hbm>>
      tpu.wait_dma2 semaphore(%run_scoped3A : memref<!tpu.dma_semaphore, #tpu.memory_space<semaphore_mem>>) src(%dma_wait3A_76 : memref<80x128xi32, #tpu.memory_space<hbm>>) dst(%arg7 : memref<80x128xi32, #tpu.memory_space<vmem>>)
      tpu.yield
    }) : () -> ()
    %mul3A_1 = arith.constant 640 : i32
    %mul3A_2 = arith.muli %arg1, %mul3A_1 : i32
    "tpu.region"() ({
      %run_scoped3A = tpu.sem_alloc : memref<!tpu.dma_semaphore, #tpu.memory_space<semaphore_mem>>
      %dma_start3A_62 = arith.constant 0 : i32
      %dma_start3A_63 = tpu.memref_slice %arg18[%mul3A_2, %dma_start3A_62] : memref<10240x128xf32, #tpu.memory_space<vmem_shared>> -> memref<640x128xf32, #tpu.memory_space<vmem_shared>>
      tpu.enqueue_dma source(%arg5 : memref<640x128xf32, #tpu.memory_space<hbm>>) target(%dma_start3A_63 : memref<640x128xf32, #tpu.memory_space<vmem_shared>>) target_semaphore(%run_scoped3A : memref<!tpu.dma_semaphore, #tpu.memory_space<semaphore_mem>>)
      %dma_wait3A = arith.constant 0 : i32
      %dma_wait3A_64 = tpu.memref_slice %arg18[%mul3A_2, %dma_wait3A] : memref<10240x128xf32, #tpu.memory_space<vmem_shared>> -> memref<640x128xf32, #tpu.memory_space<vmem_shared>>
      tpu.wait_dma2 semaphore(%run_scoped3A : memref<!tpu.dma_semaphore, #tpu.memory_space<semaphore_mem>>) src(%arg5 : memref<640x128xf32, #tpu.memory_space<hbm>>) dst(%dma_wait3A_64 : memref<640x128xf32, #tpu.memory_space<vmem_shared>>)
      tpu.yield
    }) : () -> ()
    %barrier3A = arith.constant 0 : index
    tpu.barrier barrier_id(%barrier3A)
    %mul3A_3 = arith.constant 80 : i32
    %mul3A_4 = arith.muli %arg1, %mul3A_3 : i32
    %dma_start3A = arith.constant 0 : i32
    %dma_start3A_5 = arith.constant 0 : i32
    %dma_start3A_6 = tpu.memref_slice %arg7[%dma_start3A, %dma_start3A_5] : memref<80x128xi32, #tpu.memory_space<vmem>> -> memref<1x128xi32, #tpu.memory_space<vmem>>
    %dma_start3A_7 = tpu.memref_squeeze %dma_start3A_6 : memref<1x128xi32, #tpu.memory_space<vmem>> -> memref<128xi32, #tpu.memory_space<vmem>>
    %dma_start3A_8 = arith.constant 0 : i32
    %dma_start3A_9 = arith.constant 0 : i32
    %dma_start3A_10 = tpu.memref_slice %arg2[%dma_start3A_8, %dma_start3A_9] : memref<20480x128xf32, #tpu.memory_space<hbm>> -> memref<20480x128xf32, #tpu.memory_space<hbm>>
    tpu.enqueue_indirect_dma source(%dma_start3A_10 : memref<20480x128xf32, #tpu.memory_space<hbm>>) target(%arg10 : memref<128x128xf32, #tpu.memory_space<vmem>>) offsets(%dma_start3A_7 : memref<128xi32, #tpu.memory_space<vmem>>) semaphore(%arg12 : memref<!tpu.dma_semaphore, #tpu.memory_space<semaphore_mem>>)
    %add3A_11 = arith.constant 0 : i32
    %add3A_12 = arith.addi %mul3A_4, %add3A_11 : i32
    %dma_start3A_13 = arith.constant 0 : i32
    %dma_start3A_14 = arith.constant 0 : i32
    %dma_start3A_15 = tpu.memref_slice %arg8[%dma_start3A_13, %dma_start3A_14] : memref<1x128xi32, #tpu.memory_space<vmem>> -> memref<1x128xi32, #tpu.memory_space<vmem>>
    %dma_start3A_16 = tpu.memref_squeeze %dma_start3A_15 : memref<1x128xi32, #tpu.memory_space<vmem>> -> memref<128xi32, #tpu.memory_space<vmem>>
    %dma_start3A_17 = arith.constant 0 : i32
    %dma_start3A_18 = tpu.memref_slice %arg4[%add3A_12, %dma_start3A_17] : memref<1280x128xi32, #tpu.memory_space<hbm>> -> memref<1x128xi32, #tpu.memory_space<hbm>>
    %dma_start3A_19 = tpu.memref_squeeze %dma_start3A_18 : memref<1x128xi32, #tpu.memory_space<hbm>> -> memref<128xi32, #tpu.memory_space<hbm>>
    %dma_start3A_20 = arith.constant 0 : i32
    %dma_start3A_21 = tpu.memref_slice %arg8[%dma_start3A_13, %dma_start3A_20] : memref<1x128xi32, #tpu.memory_space<vmem>> -> memref<1x128xi32, #tpu.memory_space<vmem>>
    %dma_start3A_22 = tpu.memref_squeeze %dma_start3A_21 : memref<1x128xi32, #tpu.memory_space<vmem>> -> memref<128xi32, #tpu.memory_space<vmem>>
    %dma_start3A_23 = arith.constant 0 : i32
    %dma_start3A_24 = tpu.memref_slice %arg4[%add3A_12, %dma_start3A_23] : memref<1280x128xi32, #tpu.memory_space<hbm>> -> memref<1x128xi32, #tpu.memory_space<hbm>>
    %dma_start3A_25 = tpu.memref_squeeze %dma_start3A_24 : memref<1x128xi32, #tpu.memory_space<hbm>> -> memref<128xi32, #tpu.memory_space<hbm>>
    tpu.enqueue_dma source(%dma_start3A_25 : memref<128xi32, #tpu.memory_space<hbm>>) target(%dma_start3A_22 : memref<128xi32, #tpu.memory_space<vmem>>) target_semaphore(%arg14 : memref<!tpu.dma_semaphore, #tpu.memory_space<semaphore_mem>>)
    %dma_start3A_26 = arith.constant 1 : i32
    %dma_start3A_27 = arith.constant 0 : i32
    %dma_start3A_28 = tpu.memref_slice %arg7[%dma_start3A_26, %dma_start3A_27] : memref<80x128xi32, #tpu.memory_space<vmem>> -> memref<1x128xi32, #tpu.memory_space<vmem>>
    %dma_start3A_29 = tpu.memref_squeeze %dma_start3A_28 : memref<1x128xi32, #tpu.memory_space<vmem>> -> memref<128xi32, #tpu.memory_space<vmem>>
    %dma_start3A_30 = arith.constant 0 : i32
    %dma_start3A_31 = arith.constant 0 : i32
    %dma_start3A_32 = tpu.memref_slice %arg2[%dma_start3A_30, %dma_start3A_31] : memref<20480x128xf32, #tpu.memory_space<hbm>> -> memref<20480x128xf32, #tpu.memory_space<hbm>>
    tpu.enqueue_indirect_dma source(%dma_start3A_32 : memref<20480x128xf32, #tpu.memory_space<hbm>>) target(%arg11 : memref<128x128xf32, #tpu.memory_space<vmem>>) offsets(%dma_start3A_29 : memref<128xi32, #tpu.memory_space<vmem>>) semaphore(%arg13 : memref<!tpu.dma_semaphore, #tpu.memory_space<semaphore_mem>>)
    %add3A_33 = arith.constant 1 : i32
    %add3A_34 = arith.addi %mul3A_4, %add3A_33 : i32
    %dma_start3A_35 = arith.constant 0 : i32
    %dma_start3A_36 = arith.constant 0 : i32
    %dma_start3A_37 = tpu.memref_slice %arg9[%dma_start3A_35, %dma_start3A_36] : memref<1x128xi32, #tpu.memory_space<vmem>> -> memref<1x128xi32, #tpu.memory_space<vmem>>
    %dma_start3A_38 = tpu.memref_squeeze %dma_start3A_37 : memref<1x128xi32, #tpu.memory_space<vmem>> -> memref<128xi32, #tpu.memory_space<vmem>>
    %dma_start3A_39 = arith.constant 0 : i32
    %dma_start3A_40 = tpu.memref_slice %arg4[%add3A_34, %dma_start3A_39] : memref<1280x128xi32, #tpu.memory_space<hbm>> -> memref<1x128xi32, #tpu.memory_space<hbm>>
    %dma_start3A_41 = tpu.memref_squeeze %dma_start3A_40 : memref<1x128xi32, #tpu.memory_space<hbm>> -> memref<128xi32, #tpu.memory_space<hbm>>
    %dma_start3A_42 = arith.constant 0 : i32
    %dma_start3A_43 = tpu.memref_slice %arg9[%dma_start3A_35, %dma_start3A_42] : memref<1x128xi32, #tpu.memory_space<vmem>> -> memref<1x128xi32, #tpu.memory_space<vmem>>
    %dma_start3A_44 = tpu.memref_squeeze %dma_start3A_43 : memref<1x128xi32, #tpu.memory_space<vmem>> -> memref<128xi32, #tpu.memory_space<vmem>>
    %dma_start3A_45 = arith.constant 0 : i32
    %dma_start3A_46 = tpu.memref_slice %arg4[%add3A_34, %dma_start3A_45] : memref<1280x128xi32, #tpu.memory_space<hbm>> -> memref<1x128xi32, #tpu.memory_space<hbm>>
    %dma_start3A_47 = tpu.memref_squeeze %dma_start3A_46 : memref<1x128xi32, #tpu.memory_space<hbm>> -> memref<128xi32, #tpu.memory_space<hbm>>
    tpu.enqueue_dma source(%dma_start3A_47 : memref<128xi32, #tpu.memory_space<hbm>>) target(%dma_start3A_44 : memref<128xi32, #tpu.memory_space<vmem>>) target_semaphore(%arg15 : memref<!tpu.dma_semaphore, #tpu.memory_space<semaphore_mem>>)
    %scan3A = arith.constant 0 : i32
    %scan3A_48 = arith.constant 0 : i32
    %scan3A_49 = arith.constant 40 : i32
    %scan3A_50 = arith.addi %scan3A_48, %scan3A_49 : i32
    %scan3A_51 = arith.constant 1 : i32
    %scan3A_52 = scf.for %scan3A_62 = %scan3A_48 to %scan3A_50 step %scan3A_51 iter_args(%scan3A_63 = %scan3A) -> (i32)  : i32 {
      %mul3A_64 = arith.constant 2 : i32
      %mul3A_65 = arith.muli %scan3A_62, %mul3A_64 : i32
      %add3A_66 = arith.constant 0 : i32
      %add3A_67 = arith.addi %mul3A_65, %add3A_66 : i32
      %dma_wait3A = arith.constant 0 : i32
      %dma_wait3A_68 = tpu.memref_slice %arg7[%add3A_67, %dma_wait3A] : memref<80x128xi32, #tpu.memory_space<vmem>> -> memref<1x128xi32, #tpu.memory_space<vmem>>
      %dma_wait3A_69 = tpu.memref_squeeze %dma_wait3A_68 : memref<1x128xi32, #tpu.memory_space<vmem>> -> memref<128xi32, #tpu.memory_space<vmem>>
      %dma_wait3A_70 = arith.constant 0 : i32
      %dma_wait3A_71 = arith.constant 0 : i32
      %dma_wait3A_72 = tpu.memref_slice %arg2[%dma_wait3A_70, %dma_wait3A_71] : memref<20480x128xf32, #tpu.memory_space<hbm>> -> memref<20480x128xf32, #tpu.memory_space<hbm>>
      tpu.wait_indirect_dma semaphore(%arg12 : memref<!tpu.dma_semaphore, #tpu.memory_space<semaphore_mem>>) src(%dma_wait3A_72 : memref<20480x128xf32, #tpu.memory_space<hbm>>) dst(%arg10 : memref<128x128xf32, #tpu.memory_space<vmem>>)
      %add3A_73 = arith.addi %mul3A_4, %add3A_67 : i32
      %dma_wait3A_74 = arith.constant 0 : i32
      %dma_wait3A_75 = arith.constant 0 : i32
      %dma_wait3A_76 = tpu.memref_slice %arg8[%dma_wait3A_74, %dma_wait3A_75] : memref<1x128xi32, #tpu.memory_space<vmem>> -> memref<1x128xi32, #tpu.memory_space<vmem>>
      %dma_wait3A_77 = tpu.memref_squeeze %dma_wait3A_76 : memref<1x128xi32, #tpu.memory_space<vmem>> -> memref<128xi32, #tpu.memory_space<vmem>>
      %dma_wait3A_78 = arith.constant 0 : i32
      %dma_wait3A_79 = tpu.memref_slice %arg4[%add3A_73, %dma_wait3A_78] : memref<1280x128xi32, #tpu.memory_space<hbm>> -> memref<1x128xi32, #tpu.memory_space<hbm>>
      %dma_wait3A_80 = tpu.memref_squeeze %dma_wait3A_79 : memref<1x128xi32, #tpu.memory_space<hbm>> -> memref<128xi32, #tpu.memory_space<hbm>>
      %dma_wait3A_81 = arith.constant 0 : i32
      %dma_wait3A_82 = tpu.memref_slice %arg8[%dma_wait3A_74, %dma_wait3A_81] : memref<1x128xi32, #tpu.memory_space<vmem>> -> memref<1x128xi32, #tpu.memory_space<vmem>>
      %dma_wait3A_83 = tpu.memref_squeeze %dma_wait3A_82 : memref<1x128xi32, #tpu.memory_space<vmem>> -> memref<128xi32, #tpu.memory_space<vmem>>
      %dma_wait3A_84 = arith.constant 0 : i32
      %dma_wait3A_85 = tpu.memref_slice %arg4[%add3A_73, %dma_wait3A_84] : memref<1280x128xi32, #tpu.memory_space<hbm>> -> memref<1x128xi32, #tpu.memory_space<hbm>>
      %dma_wait3A_86 = tpu.memref_squeeze %dma_wait3A_85 : memref<1x128xi32, #tpu.memory_space<hbm>> -> memref<128xi32, #tpu.memory_space<hbm>>
      tpu.wait_dma2 semaphore(%arg14 : memref<!tpu.dma_semaphore, #tpu.memory_space<semaphore_mem>>) src(%dma_wait3A_86 : memref<128xi32, #tpu.memory_space<hbm>>) dst(%dma_wait3A_83 : memref<128xi32, #tpu.memory_space<vmem>>)
      %run_scoped3A = arith.constant 0 : i32
      "tpu.region"() ({
        %run_scoped3A_120 = tpu.sem_alloc : memref<!tpu.dma_semaphore, #tpu.memory_space<semaphore_mem>>
        %dma_start3A_121 = arith.constant 0 : i32
        %dma_start3A_122 = tpu.memref_slice %arg8[%run_scoped3A, %dma_start3A_121] : memref<1x128xi32, #tpu.memory_space<vmem>> -> memref<1x128xi32, #tpu.memory_space<vmem>>
        %dma_start3A_123 = tpu.memref_squeeze %dma_start3A_122 : memref<1x128xi32, #tpu.memory_space<vmem>> -> memref<128xi32, #tpu.memory_space<vmem>>
        %dma_start3A_124 = arith.constant 0 : i32
        %dma_start3A_125 = arith.constant 0 : i32
        %dma_start3A_126 = tpu.memref_slice %arg18[%dma_start3A_124, %dma_start3A_125] : memref<10240x128xf32, #tpu.memory_space<vmem_shared>> -> memref<10240x128xf32, #tpu.memory_space<vmem_shared>>
        tpu.enqueue_indirect_dma source(%arg10 : memref<128x128xf32, #tpu.memory_space<vmem>>) target(%dma_start3A_126 : memref<10240x128xf32, #tpu.memory_space<vmem_shared>>) offsets(%dma_start3A_123 : memref<128xi32, #tpu.memory_space<vmem>>) semaphore(%run_scoped3A_120 : memref<!tpu.dma_semaphore, #tpu.memory_space<semaphore_mem>>) {add = true}
        %dma_wait3A_127 = arith.constant 0 : i32
        %dma_wait3A_128 = tpu.memref_slice %arg8[%run_scoped3A, %dma_wait3A_127] : memref<1x128xi32, #tpu.memory_space<vmem>> -> memref<1x128xi32, #tpu.memory_space<vmem>>
        %dma_wait3A_129 = tpu.memref_squeeze %dma_wait3A_128 : memref<1x128xi32, #tpu.memory_space<vmem>> -> memref<128xi32, #tpu.memory_space<vmem>>
        %dma_wait3A_130 = arith.constant 0 : i32
        %dma_wait3A_131 = arith.constant 0 : i32
        %dma_wait3A_132 = tpu.memref_slice %arg18[%dma_wait3A_130, %dma_wait3A_131] : memref<10240x128xf32, #tpu.memory_space<vmem_shared>> -> memref<10240x128xf32, #tpu.memory_space<vmem_shared>>
        tpu.wait_indirect_dma semaphore(%run_scoped3A_120 : memref<!tpu.dma_semaphore, #tpu.memory_space<semaphore_mem>>) src(%arg10 : memref<128x128xf32, #tpu.memory_space<vmem>>) dst(%dma_wait3A_132 : memref<10240x128xf32, #tpu.memory_space<vmem_shared>>)
        tpu.yield
      }) : () -> ()
      %lt3A = arith.constant 78 : i32
      %lt3A_87 = arith.cmpi slt, %add3A_67, %lt3A : i32
      %convert_element_type3A = arith.extui %lt3A_87 : i1 to i32
      %cond3A = arith.constant 0 : i32
      %cond3A_88 = arith.cmpi ne, %convert_element_type3A, %cond3A : i32
      scf.if %cond3A_88 {
        %add3A_120 = arith.constant 2 : i32
        %add3A_121 = arith.addi %add3A_67, %add3A_120 : i32
        %dma_start3A_122 = arith.constant 0 : i32
        %dma_start3A_123 = tpu.memref_slice %arg7[%add3A_121, %dma_start3A_122] : memref<80x128xi32, #tpu.memory_space<vmem>> -> memref<1x128xi32, #tpu.memory_space<vmem>>
        %dma_start3A_124 = tpu.memref_squeeze %dma_start3A_123 : memref<1x128xi32, #tpu.memory_space<vmem>> -> memref<128xi32, #tpu.memory_space<vmem>>
        %dma_start3A_125 = arith.constant 0 : i32
        %dma_start3A_126 = arith.constant 0 : i32
        %dma_start3A_127 = tpu.memref_slice %arg2[%dma_start3A_125, %dma_start3A_126] : memref<20480x128xf32, #tpu.memory_space<hbm>> -> memref<20480x128xf32, #tpu.memory_space<hbm>>
        tpu.enqueue_indirect_dma source(%dma_start3A_127 : memref<20480x128xf32, #tpu.memory_space<hbm>>) target(%arg10 : memref<128x128xf32, #tpu.memory_space<vmem>>) offsets(%dma_start3A_124 : memref<128xi32, #tpu.memory_space<vmem>>) semaphore(%arg12 : memref<!tpu.dma_semaphore, #tpu.memory_space<semaphore_mem>>)
        %add3A_128 = arith.addi %mul3A_4, %add3A_67 : i32
        %add3A_129 = arith.constant 2 : i32
        %add3A_130 = arith.addi %add3A_128, %add3A_129 : i32
        %dma_start3A_131 = arith.constant 0 : i32
        %dma_start3A_132 = arith.constant 0 : i32
        %dma_start3A_133 = tpu.memref_slice %arg8[%dma_start3A_131, %dma_start3A_132] : memref<1x128xi32, #tpu.memory_space<vmem>> -> memref<1x128xi32, #tpu.memory_space<vmem>>
        %dma_start3A_134 = tpu.memref_squeeze %dma_start3A_133 : memref<1x128xi32, #tpu.memory_space<vmem>> -> memref<128xi32, #tpu.memory_space<vmem>>
        %dma_start3A_135 = arith.constant 0 : i32
        %dma_start3A_136 = tpu.memref_slice %arg4[%add3A_130, %dma_start3A_135] : memref<1280x128xi32, #tpu.memory_space<hbm>> -> memref<1x128xi32, #tpu.memory_space<hbm>>
        %dma_start3A_137 = tpu.memref_squeeze %dma_start3A_136 : memref<1x128xi32, #tpu.memory_space<hbm>> -> memref<128xi32, #tpu.memory_space<hbm>>
        %dma_start3A_138 = arith.constant 0 : i32
        %dma_start3A_139 = tpu.memref_slice %arg8[%dma_start3A_131, %dma_start3A_138] : memref<1x128xi32, #tpu.memory_space<vmem>> -> memref<1x128xi32, #tpu.memory_space<vmem>>
        %dma_start3A_140 = tpu.memref_squeeze %dma_start3A_139 : memref<1x128xi32, #tpu.memory_space<vmem>> -> memref<128xi32, #tpu.memory_space<vmem>>
        %dma_start3A_141 = arith.constant 0 : i32
        %dma_start3A_142 = tpu.memref_slice %arg4[%add3A_130, %dma_start3A_141] : memref<1280x128xi32, #tpu.memory_space<hbm>> -> memref<1x128xi32, #tpu.memory_space<hbm>>
        %dma_start3A_143 = tpu.memref_squeeze %dma_start3A_142 : memref<1x128xi32, #tpu.memory_space<hbm>> -> memref<128xi32, #tpu.memory_space<hbm>>
        tpu.enqueue_dma source(%dma_start3A_143 : memref<128xi32, #tpu.memory_space<hbm>>) target(%dma_start3A_140 : memref<128xi32, #tpu.memory_space<vmem>>) target_semaphore(%arg14 : memref<!tpu.dma_semaphore, #tpu.memory_space<semaphore_mem>>)
      } else {
      }
      %mul3A_89 = arith.constant 2 : i32
      %mul3A_90 = arith.muli %scan3A_62, %mul3A_89 : i32
      %add3A_91 = arith.constant 1 : i32
      %add3A_92 = arith.addi %mul3A_90, %add3A_91 : i32
      %dma_wait3A_93 = arith.constant 0 : i32
      %dma_wait3A_94 = tpu.memref_slice %arg7[%add3A_92, %dma_wait3A_93] : memref<80x128xi32, #tpu.memory_space<vmem>> -> memref<1x128xi32, #tpu.memory_space<vmem>>
      %dma_wait3A_95 = tpu.memref_squeeze %dma_wait3A_94 : memref<1x128xi32, #tpu.memory_space<vmem>> -> memref<128xi32, #tpu.memory_space<vmem>>
      %dma_wait3A_96 = arith.constant 0 : i32
      %dma_wait3A_97 = arith.constant 0 : i32
      %dma_wait3A_98 = tpu.memref_slice %arg2[%dma_wait3A_96, %dma_wait3A_97] : memref<20480x128xf32, #tpu.memory_space<hbm>> -> memref<20480x128xf32, #tpu.memory_space<hbm>>
      tpu.wait_indirect_dma semaphore(%arg13 : memref<!tpu.dma_semaphore, #tpu.memory_space<semaphore_mem>>) src(%dma_wait3A_98 : memref<20480x128xf32, #tpu.memory_space<hbm>>) dst(%arg11 : memref<128x128xf32, #tpu.memory_space<vmem>>)
      %add3A_99 = arith.addi %mul3A_4, %add3A_92 : i32
      %dma_wait3A_100 = arith.constant 0 : i32
      %dma_wait3A_101 = arith.constant 0 : i32
      %dma_wait3A_102 = tpu.memref_slice %arg9[%dma_wait3A_100, %dma_wait3A_101] : memref<1x128xi32, #tpu.memory_space<vmem>> -> memref<1x128xi32, #tpu.memory_space<vmem>>
      %dma_wait3A_103 = tpu.memref_squeeze %dma_wait3A_102 : memref<1x128xi32, #tpu.memory_space<vmem>> -> memref<128xi32, #tpu.memory_space<vmem>>
      %dma_wait3A_104 = arith.constant 0 : i32
      %dma_wait3A_105 = tpu.memref_slice %arg4[%add3A_99, %dma_wait3A_104] : memref<1280x128xi32, #tpu.memory_space<hbm>> -> memref<1x128xi32, #tpu.memory_space<hbm>>
      %dma_wait3A_106 = tpu.memref_squeeze %dma_wait3A_105 : memref<1x128xi32, #tpu.memory_space<hbm>> -> memref<128xi32, #tpu.memory_space<hbm>>
      %dma_wait3A_107 = arith.constant 0 : i32
      %dma_wait3A_108 = tpu.memref_slice %arg9[%dma_wait3A_100, %dma_wait3A_107] : memref<1x128xi32, #tpu.memory_space<vmem>> -> memref<1x128xi32, #tpu.memory_space<vmem>>
      %dma_wait3A_109 = tpu.memref_squeeze %dma_wait3A_108 : memref<1x128xi32, #tpu.memory_space<vmem>> -> memref<128xi32, #tpu.memory_space<vmem>>
      %dma_wait3A_110 = arith.constant 0 : i32
      %dma_wait3A_111 = tpu.memref_slice %arg4[%add3A_99, %dma_wait3A_110] : memref<1280x128xi32, #tpu.memory_space<hbm>> -> memref<1x128xi32, #tpu.memory_space<hbm>>
      %dma_wait3A_112 = tpu.memref_squeeze %dma_wait3A_111 : memref<1x128xi32, #tpu.memory_space<hbm>> -> memref<128xi32, #tpu.memory_space<hbm>>
      tpu.wait_dma2 semaphore(%arg15 : memref<!tpu.dma_semaphore, #tpu.memory_space<semaphore_mem>>) src(%dma_wait3A_112 : memref<128xi32, #tpu.memory_space<hbm>>) dst(%dma_wait3A_109 : memref<128xi32, #tpu.memory_space<vmem>>)
      %run_scoped3A_113 = arith.constant 0 : i32
      "tpu.region"() ({
        %run_scoped3A_120 = tpu.sem_alloc : memref<!tpu.dma_semaphore, #tpu.memory_space<semaphore_mem>>
        %dma_start3A_121 = arith.constant 0 : i32
        %dma_start3A_122 = tpu.memref_slice %arg9[%run_scoped3A_113, %dma_start3A_121] : memref<1x128xi32, #tpu.memory_space<vmem>> -> memref<1x128xi32, #tpu.memory_space<vmem>>
        %dma_start3A_123 = tpu.memref_squeeze %dma_start3A_122 : memref<1x128xi32, #tpu.memory_space<vmem>> -> memref<128xi32, #tpu.memory_space<vmem>>
        %dma_start3A_124 = arith.constant 0 : i32
        %dma_start3A_125 = arith.constant 0 : i32
        %dma_start3A_126 = tpu.memref_slice %arg18[%dma_start3A_124, %dma_start3A_125] : memref<10240x128xf32, #tpu.memory_space<vmem_shared>> -> memref<10240x128xf32, #tpu.memory_space<vmem_shared>>
        tpu.enqueue_indirect_dma source(%arg11 : memref<128x128xf32, #tpu.memory_space<vmem>>) target(%dma_start3A_126 : memref<10240x128xf32, #tpu.memory_space<vmem_shared>>) offsets(%dma_start3A_123 : memref<128xi32, #tpu.memory_space<vmem>>) semaphore(%run_scoped3A_120 : memref<!tpu.dma_semaphore, #tpu.memory_space<semaphore_mem>>) {add = true}
        %dma_wait3A_127 = arith.constant 0 : i32
        %dma_wait3A_128 = tpu.memref_slice %arg9[%run_scoped3A_113, %dma_wait3A_127] : memref<1x128xi32, #tpu.memory_space<vmem>> -> memref<1x128xi32, #tpu.memory_space<vmem>>
        %dma_wait3A_129 = tpu.memref_squeeze %dma_wait3A_128 : memref<1x128xi32, #tpu.memory_space<vmem>> -> memref<128xi32, #tpu.memory_space<vmem>>
        %dma_wait3A_130 = arith.constant 0 : i32
        %dma_wait3A_131 = arith.constant 0 : i32
        %dma_wait3A_132 = tpu.memref_slice %arg18[%dma_wait3A_130, %dma_wait3A_131] : memref<10240x128xf32, #tpu.memory_space<vmem_shared>> -> memref<10240x128xf32, #tpu.memory_space<vmem_shared>>
        tpu.wait_indirect_dma semaphore(%run_scoped3A_120 : memref<!tpu.dma_semaphore, #tpu.memory_space<semaphore_mem>>) src(%arg11 : memref<128x128xf32, #tpu.memory_space<vmem>>) dst(%dma_wait3A_132 : memref<10240x128xf32, #tpu.memory_space<vmem_shared>>)
        tpu.yield
      }) : () -> ()
      %lt3A_114 = arith.constant 78 : i32
      %lt3A_115 = arith.cmpi slt, %add3A_92, %lt3A_114 : i32
      %convert_element_type3A_116 = arith.extui %lt3A_115 : i1 to i32
      %cond3A_117 = arith.constant 0 : i32
      %cond3A_118 = arith.cmpi ne, %convert_element_type3A_116, %cond3A_117 : i32
      scf.if %cond3A_118 {
        %add3A_120 = arith.constant 2 : i32
        %add3A_121 = arith.addi %add3A_92, %add3A_120 : i32
        %dma_start3A_122 = arith.constant 0 : i32
        %dma_start3A_123 = tpu.memref_slice %arg7[%add3A_121, %dma_start3A_122] : memref<80x128xi32, #tpu.memory_space<vmem>> -> memref<1x128xi32, #tpu.memory_space<vmem>>
        %dma_start3A_124 = tpu.memref_squeeze %dma_start3A_123 : memref<1x128xi32, #tpu.memory_space<vmem>> -> memref<128xi32, #tpu.memory_space<vmem>>
        %dma_start3A_125 = arith.constant 0 : i32
        %dma_start3A_126 = arith.constant 0 : i32
        %dma_start3A_127 = tpu.memref_slice %arg2[%dma_start3A_125, %dma_start3A_126] : memref<20480x128xf32, #tpu.memory_space<hbm>> -> memref<20480x128xf32, #tpu.memory_space<hbm>>
        tpu.enqueue_indirect_dma source(%dma_start3A_127 : memref<20480x128xf32, #tpu.memory_space<hbm>>) target(%arg11 : memref<128x128xf32, #tpu.memory_space<vmem>>) offsets(%dma_start3A_124 : memref<128xi32, #tpu.memory_space<vmem>>) semaphore(%arg13 : memref<!tpu.dma_semaphore, #tpu.memory_space<semaphore_mem>>)
        %add3A_128 = arith.addi %mul3A_4, %add3A_92 : i32
        %add3A_129 = arith.constant 2 : i32
        %add3A_130 = arith.addi %add3A_128, %add3A_129 : i32
        %dma_start3A_131 = arith.constant 0 : i32
        %dma_start3A_132 = arith.constant 0 : i32
        %dma_start3A_133 = tpu.memref_slice %arg9[%dma_start3A_131, %dma_start3A_132] : memref<1x128xi32, #tpu.memory_space<vmem>> -> memref<1x128xi32, #tpu.memory_space<vmem>>
        %dma_start3A_134 = tpu.memref_squeeze %dma_start3A_133 : memref<1x128xi32, #tpu.memory_space<vmem>> -> memref<128xi32, #tpu.memory_space<vmem>>
        %dma_start3A_135 = arith.constant 0 : i32
        %dma_start3A_136 = tpu.memref_slice %arg4[%add3A_130, %dma_start3A_135] : memref<1280x128xi32, #tpu.memory_space<hbm>> -> memref<1x128xi32, #tpu.memory_space<hbm>>
        %dma_start3A_137 = tpu.memref_squeeze %dma_start3A_136 : memref<1x128xi32, #tpu.memory_space<hbm>> -> memref<128xi32, #tpu.memory_space<hbm>>
        %dma_start3A_138 = arith.constant 0 : i32
        %dma_start3A_139 = tpu.memref_slice %arg9[%dma_start3A_131, %dma_start3A_138] : memref<1x128xi32, #tpu.memory_space<vmem>> -> memref<1x128xi32, #tpu.memory_space<vmem>>
        %dma_start3A_140 = tpu.memref_squeeze %dma_start3A_139 : memref<1x128xi32, #tpu.memory_space<vmem>> -> memref<128xi32, #tpu.memory_space<vmem>>
        %dma_start3A_141 = arith.constant 0 : i32
        %dma_start3A_142 = tpu.memref_slice %arg4[%add3A_130, %dma_start3A_141] : memref<1280x128xi32, #tpu.memory_space<hbm>> -> memref<1x128xi32, #tpu.memory_space<hbm>>
        %dma_start3A_143 = tpu.memref_squeeze %dma_start3A_142 : memref<1x128xi32, #tpu.memory_space<hbm>> -> memref<128xi32, #tpu.memory_space<hbm>>
        tpu.enqueue_dma source(%dma_start3A_143 : memref<128xi32, #tpu.memory_space<hbm>>) target(%dma_start3A_140 : memref<128xi32, #tpu.memory_space<vmem>>) target_semaphore(%arg15 : memref<!tpu.dma_semaphore, #tpu.memory_space<semaphore_mem>>)
      } else {
      }
      %scan3A_119 = arith.constant 0 : i32
      scf.yield %scan3A_119 : i32
    }
    %scan3A_53 = arith.constant 40 : i32
    %barrier3A_54 = arith.constant 0 : index
    tpu.barrier barrier_id(%barrier3A_54)
    %mul3A_55 = arith.constant 640 : i32
    %mul3A_56 = arith.muli %arg1, %mul3A_55 : i32
    %mul3A_57 = arith.constant 10240 : i32
    %mul3A_58 = arith.muli %arg0, %mul3A_57 : i32
    %mul3A_59 = arith.constant 640 : i32
    %mul3A_60 = arith.muli %arg1, %mul3A_59 : i32
    %add3A_61 = arith.addi %mul3A_58, %mul3A_60 : i32
    "tpu.region"() ({
      %run_scoped3A = tpu.sem_alloc : memref<!tpu.dma_semaphore, #tpu.memory_space<semaphore_mem>>
      %dma_start3A_62 = arith.constant 0 : i32
      %dma_start3A_63 = tpu.memref_slice %arg6[%add3A_61, %dma_start3A_62] : memref<20480x128xf32, #tpu.memory_space<hbm>> -> memref<640x128xf32, #tpu.memory_space<hbm>>
      %dma_start3A_64 = arith.constant 0 : i32
      %dma_start3A_65 = tpu.memref_slice %arg18[%mul3A_56, %dma_start3A_64] : memref<10240x128xf32, #tpu.memory_space<vmem_shared>> -> memref<640x128xf32, #tpu.memory_space<vmem_shared>>
      tpu.enqueue_dma source(%dma_start3A_65 : memref<640x128xf32, #tpu.memory_space<vmem_shared>>) target(%dma_start3A_63 : memref<640x128xf32, #tpu.memory_space<hbm>>) target_semaphore(%run_scoped3A : memref<!tpu.dma_semaphore, #tpu.memory_space<semaphore_mem>>)
      %dma_wait3A = arith.constant 0 : i32
      %dma_wait3A_66 = tpu.memref_slice %arg6[%add3A_61, %dma_wait3A] : memref<20480x128xf32, #tpu.memory_space<hbm>> -> memref<640x128xf32, #tpu.memory_space<hbm>>
      %dma_wait3A_67 = arith.constant 0 : i32
      %dma_wait3A_68 = tpu.memref_slice %arg18[%mul3A_56, %dma_wait3A_67] : memref<10240x128xf32, #tpu.memory_space<vmem_shared>> -> memref<640x128xf32, #tpu.memory_space<vmem_shared>>
      tpu.wait_dma2 semaphore(%run_scoped3A : memref<!tpu.dma_semaphore, #tpu.memory_space<semaphore_mem>>) src(%dma_wait3A_68 : memref<640x128xf32, #tpu.memory_space<vmem_shared>>) dst(%dma_wait3A_66 : memref<640x128xf32, #tpu.memory_space<hbm>>)
      tpu.yield
    }) : () -> ()
    return
  }
}

module attributes {stable_mosaic.version = 14 : i64} {
  func.func @_mm1_body(%arg0: i32, %arg1: memref<512x256xf32, #tpu.memory_space<vmem>>, %arg2: memref<256x256xf32, #tpu.memory_space<vmem>>, %arg3: memref<512x1xf32, #tpu.memory_space<vmem>>, %arg4: memref<2x512x128xf32, #tpu.memory_space<vmem>>) attributes {dimension_semantics = [#tpu.dimension_semantics<arbitrary>], iteration_bounds = array<i64: 20>, scalar_prefetch = 0 : i64, scratch_operands = 0 : i64, tpu.core_type = #tpu.core_type<tc>, window_params = [{transform_indices = @transform_0, window_bounds = array<i64: 512, 256>}, {pipeline_mode = #tpu.pipeline_mode<synchronous>, transform_indices = @transform_1, window_bounds = array<i64: 256, 256>}, {transform_indices = @transform_2, window_bounds = array<i64: 512, 1>}, {transform_indices = @transform_3, window_bounds = array<i64: 2, 512, 128>}]} {
    %get3A = arith.constant 0 : index
    %get3A_0 = arith.constant 0 : index
    %get3A_1 = vector.load %arg1[%get3A, %get3A_0] : memref<512x256xf32, #tpu.memory_space<vmem>>, vector<512x256xf32>
    %get3A_2 = arith.constant 0 : index
    %get3A_3 = arith.constant 0 : index
    %get3A_4 = vector.load %arg2[%get3A_2, %get3A_3] : memref<256x256xf32, #tpu.memory_space<vmem>>, vector<256x256xf32>
    %dot_general3A = arith.constant dense<0.000000e+00> : vector<512x256xf32>
    %dot_general3A_5 = tpu.matmul %get3A_1, %get3A_4, %dot_general3A {dimension_numbers = #tpu.dot_dimension_numbers<[1], [0], [0], [1], [0, 0, 1, 1], [], []>, transpose_lhs_hint = false} : vector<512x256xf32>, vector<256x256xf32>, vector<512x256xf32> -> vector<512x256xf32>
    %get3A_6 = arith.constant 0 : index
    %get3A_7 = arith.constant 0 : index
    %get3A_8 = vector.load %arg3[%get3A_6, %get3A_7] : memref<512x1xf32, #tpu.memory_space<vmem>>, vector<512x1xf32>
    %mul3A = vector.broadcast %get3A_8 : vector<512x1xf32> to vector<512x256xf32>
    %mul3A_9 = arith.mulf %dot_general3A_5, %mul3A : vector<512x256xf32>
    %slice3A = vector.extract_strided_slice %mul3A_9 {offsets = [0, 0], sizes = [512, 128], strides = [1, 1]} : vector<512x256xf32> to vector<512x128xf32>
    %swap3A = arith.constant 0 : index
    %swap3A_10 = arith.constant 0 : index
    %swap3A_11 = arith.constant 0 : index
    %swap3A_12 = vector.load %arg4[%swap3A, %swap3A_10, %swap3A_11] : memref<2x512x128xf32, #tpu.memory_space<vmem>>, vector<1x512x128xf32>
    %swap3A_13 = vector.shape_cast %swap3A_12 : vector<1x512x128xf32> to vector<512x128xf32>
    %swap3A_14 = vector.shape_cast %slice3A : vector<512x128xf32> to vector<1x512x128xf32>
    tpu.vector_store %arg4[%swap3A, %swap3A_10, %swap3A_11], %swap3A_14 {strides = array<i32>} : memref<2x512x128xf32, #tpu.memory_space<vmem>>, vector<1x512x128xf32>,
    %slice3A_15 = vector.extract_strided_slice %mul3A_9 {offsets = [0, 128], sizes = [512, 128], strides = [1, 1]} : vector<512x256xf32> to vector<512x128xf32>
    %swap3A_16 = arith.constant 1 : index
    %swap3A_17 = arith.constant 0 : index
    %swap3A_18 = arith.constant 0 : index
    %swap3A_19 = vector.load %arg4[%swap3A_16, %swap3A_17, %swap3A_18] : memref<2x512x128xf32, #tpu.memory_space<vmem>>, vector<1x512x128xf32>
    %swap3A_20 = vector.shape_cast %swap3A_19 : vector<1x512x128xf32> to vector<512x128xf32>
    %swap3A_21 = vector.shape_cast %slice3A_15 : vector<512x128xf32> to vector<1x512x128xf32>
    tpu.vector_store %arg4[%swap3A_16, %swap3A_17, %swap3A_18], %swap3A_21 {strides = array<i32>} : memref<2x512x128xf32, #tpu.memory_space<vmem>>, vector<1x512x128xf32>,
    return
  }
  func.func @transform_0(%arg0: i32) -> (i32, i32) {
    %c0_i32 = arith.constant 0 : i32
    %c0_i32_0 = arith.constant 0 : i32
    return %arg0, %c0_i32 : i32, i32
  }
  func.func @transform_1(%arg0: i32) -> (i32, i32) {
    %c0_i32 = arith.constant 0 : i32
    %c0_i32_0 = arith.constant 0 : i32
    %c0_i32_1 = arith.constant 0 : i32
    return %c0_i32, %c0_i32_0 : i32, i32
  }
  func.func @transform_2(%arg0: i32) -> (i32, i32) {
    %c0_i32 = arith.constant 0 : i32
    %c0_i32_0 = arith.constant 0 : i32
    return %arg0, %c0_i32 : i32, i32
  }
  func.func @transform_3(%arg0: i32) -> (i32, i32, i32) {
    %c0_i32 = arith.constant 0 : i32
    %c0_i32_0 = arith.constant 0 : i32
    %c0_i32_1 = arith.constant 0 : i32
    return %c0_i32, %arg0, %c0_i32_0 : i32, i32, i32
  }
}

module attributes {stable_mosaic.version = 14 : i64} {
  func.func @_combine_mm_body(%arg0: i32, %arg1: memref<512x128xf32, #tpu.memory_space<vmem>>, %arg2: memref<512x128xf32, #tpu.memory_space<vmem>>, %arg3: memref<2x512x128xf32, #tpu.memory_space<vmem>>, %arg4: memref<512x1xf32, #tpu.memory_space<vmem>>, %arg5: memref<1x256xf32, #tpu.memory_space<vmem>>, %arg6: memref<256x256xf32, #tpu.memory_space<vmem>>, %arg7: memref<512x256xf32, #tpu.memory_space<vmem>>, %arg8: memref<2x512x128xf32, #tpu.memory_space<vmem>>) attributes {dimension_semantics = [#tpu.dimension_semantics<arbitrary>], iteration_bounds = array<i64: 20>, scalar_prefetch = 0 : i64, scratch_operands = 0 : i64, tpu.core_type = #tpu.core_type<tc>, window_params = [{transform_indices = @transform_0, window_bounds = array<i64: 512, 128>}, {transform_indices = @transform_1, window_bounds = array<i64: 512, 128>}, {transform_indices = @transform_2, window_bounds = array<i64: 2, 512, 128>}, {transform_indices = @transform_3, window_bounds = array<i64: 512, 1>}, {pipeline_mode = #tpu.pipeline_mode<synchronous>, transform_indices = @transform_4, window_bounds = array<i64: 1, 256>}, {pipeline_mode = #tpu.pipeline_mode<synchronous>, transform_indices = @transform_5, window_bounds = array<i64: 256, 256>}, {transform_indices = @transform_6, window_bounds = array<i64: 512, 256>}, {transform_indices = @transform_7, window_bounds = array<i64: 2, 512, 128>}]} {
    %get3A = arith.constant 0 : index
    %get3A_0 = arith.constant 0 : index
    %get3A_1 = vector.load %arg4[%get3A, %get3A_0] : memref<512x1xf32, #tpu.memory_space<vmem>>, vector<512x1xf32>
    %get3A_2 = arith.constant 0 : index
    %get3A_3 = arith.constant 0 : index
    %get3A_4 = vector.load %arg1[%get3A_2, %get3A_3] : memref<512x128xf32, #tpu.memory_space<vmem>>, vector<512x128xf32>
    %get3A_5 = arith.constant 0 : index
    %get3A_6 = arith.constant 0 : index
    %get3A_7 = vector.load %arg2[%get3A_5, %get3A_6] : memref<512x128xf32, #tpu.memory_space<vmem>>, vector<512x128xf32>
    %concatenate3A = tpu.concatenate %get3A_4, %get3A_7 in 1 : vector<512x128xf32>, vector<512x128xf32> -> vector<512x256xf32>
    %get3A_8 = arith.constant 0 : index
    %get3A_9 = arith.constant 0 : index
    %get3A_10 = arith.constant 0 : index
    %get3A_11 = vector.load %arg3[%get3A_8, %get3A_9, %get3A_10] : memref<2x512x128xf32, #tpu.memory_space<vmem>>, vector<1x512x128xf32>
    %get3A_12 = vector.shape_cast %get3A_11 : vector<1x512x128xf32> to vector<512x128xf32>
    %get3A_13 = arith.constant 1 : index
    %get3A_14 = arith.constant 0 : index
    %get3A_15 = arith.constant 0 : index
    %get3A_16 = vector.load %arg3[%get3A_13, %get3A_14, %get3A_15] : memref<2x512x128xf32, #tpu.memory_space<vmem>>, vector<1x512x128xf32>
    %get3A_17 = vector.shape_cast %get3A_16 : vector<1x512x128xf32> to vector<512x128xf32>
    %concatenate3A_18 = tpu.concatenate %get3A_12, %get3A_17 in 1 : vector<512x128xf32>, vector<512x128xf32> -> vector<512x256xf32>
    %add3A = arith.addf %concatenate3A, %concatenate3A_18 : vector<512x256xf32>
    %mul3A = vector.broadcast %get3A_1 : vector<512x1xf32> to vector<512x256xf32>
    %mul3A_19 = arith.mulf %add3A, %mul3A : vector<512x256xf32>
    %get3A_20 = arith.constant 0 : index
    %get3A_21 = arith.constant 0 : index
    %get3A_22 = vector.load %arg5[%get3A_20, %get3A_21] : memref<1x256xf32, #tpu.memory_space<vmem>>, vector<1x256xf32>
    %add3A_23 = vector.broadcast %get3A_22 : vector<1x256xf32> to vector<512x256xf32>
    %add3A_24 = arith.addf %mul3A_19, %add3A_23 : vector<512x256xf32>
    %max3A = arith.constant 0.000000e+00 : f32
    %max3A_25 = vector.broadcast %max3A : f32 to vector<512x256xf32>
    %max3A_26 = arith.maximumf %add3A_24, %max3A_25 : vector<512x256xf32>
    %swap3A = arith.constant 0 : index
    %swap3A_27 = arith.constant 0 : index
    %swap3A_28 = vector.load %arg7[%swap3A, %swap3A_27] : memref<512x256xf32, #tpu.memory_space<vmem>>, vector<512x256xf32>
    tpu.vector_store %arg7[%swap3A, %swap3A_27], %max3A_26 {strides = array<i32>} : memref<512x256xf32, #tpu.memory_space<vmem>>, vector<512x256xf32>,
    %get3A_29 = arith.constant 0 : index
    %get3A_30 = arith.constant 0 : index
    %get3A_31 = vector.load %arg6[%get3A_29, %get3A_30] : memref<256x256xf32, #tpu.memory_space<vmem>>, vector<256x256xf32>
    %dot_general3A = arith.constant dense<0.000000e+00> : vector<512x256xf32>
    %dot_general3A_32 = tpu.matmul %max3A_26, %get3A_31, %dot_general3A {dimension_numbers = #tpu.dot_dimension_numbers<[1], [0], [0], [1], [0, 0, 1, 1], [], []>, transpose_lhs_hint = false} : vector<512x256xf32>, vector<256x256xf32>, vector<512x256xf32> -> vector<512x256xf32>
    %mul3A_33 = vector.broadcast %get3A_1 : vector<512x1xf32> to vector<512x256xf32>
    %mul3A_34 = arith.mulf %dot_general3A_32, %mul3A_33 : vector<512x256xf32>
    %slice3A = vector.extract_strided_slice %mul3A_34 {offsets = [0, 0], sizes = [512, 128], strides = [1, 1]} : vector<512x256xf32> to vector<512x128xf32>
    %swap3A_35 = arith.constant 0 : index
    %swap3A_36 = arith.constant 0 : index
    %swap3A_37 = arith.constant 0 : index
    %swap3A_38 = vector.load %arg8[%swap3A_35, %swap3A_36, %swap3A_37] : memref<2x512x128xf32, #tpu.memory_space<vmem>>, vector<1x512x128xf32>
    %swap3A_39 = vector.shape_cast %swap3A_38 : vector<1x512x128xf32> to vector<512x128xf32>
    %swap3A_40 = vector.shape_cast %slice3A : vector<512x128xf32> to vector<1x512x128xf32>
    tpu.vector_store %arg8[%swap3A_35, %swap3A_36, %swap3A_37], %swap3A_40 {strides = array<i32>} : memref<2x512x128xf32, #tpu.memory_space<vmem>>, vector<1x512x128xf32>,
    %slice3A_41 = vector.extract_strided_slice %mul3A_34 {offsets = [0, 128], sizes = [512, 128], strides = [1, 1]} : vector<512x256xf32> to vector<512x128xf32>
    %swap3A_42 = arith.constant 1 : index
    %swap3A_43 = arith.constant 0 : index
    %swap3A_44 = arith.constant 0 : index
    %swap3A_45 = vector.load %arg8[%swap3A_42, %swap3A_43, %swap3A_44] : memref<2x512x128xf32, #tpu.memory_space<vmem>>, vector<1x512x128xf32>
    %swap3A_46 = vector.shape_cast %swap3A_45 : vector<1x512x128xf32> to vector<512x128xf32>
    %swap3A_47 = vector.shape_cast %slice3A_41 : vector<512x128xf32> to vector<1x512x128xf32>
    tpu.vector_store %arg8[%swap3A_42, %swap3A_43, %swap3A_44], %swap3A_47 {strides = array<i32>} : memref<2x512x128xf32, #tpu.memory_space<vmem>>, vector<1x512x128xf32>,
    return
  }
  func.func @transform_0(%arg0: i32) -> (i32, i32) {
    %c0_i32 = arith.constant 0 : i32
    %c0_i32_0 = arith.constant 0 : i32
    return %arg0, %c0_i32 : i32, i32
  }
  func.func @transform_1(%arg0: i32) -> (i32, i32) {
    %add3A = arith.constant 20 : i32
    %add3A_0 = arith.addi %arg0, %add3A : i32
    %c0_i32 = arith.constant 0 : i32
    %c0_i32_1 = arith.constant 0 : i32
    return %add3A_0, %c0_i32 : i32, i32
  }
  func.func @transform_2(%arg0: i32) -> (i32, i32, i32) {
    %c0_i32 = arith.constant 0 : i32
    %c0_i32_0 = arith.constant 0 : i32
    %c0_i32_1 = arith.constant 0 : i32
    return %c0_i32, %arg0, %c0_i32_0 : i32, i32, i32
  }
  func.func @transform_3(%arg0: i32) -> (i32, i32) {
    %c0_i32 = arith.constant 0 : i32
    %c0_i32_0 = arith.constant 0 : i32
    return %arg0, %c0_i32 : i32, i32
  }
  func.func @transform_4(%arg0: i32) -> (i32, i32) {
    %c0_i32 = arith.constant 0 : i32
    %c0_i32_0 = arith.constant 0 : i32
    %c0_i32_1 = arith.constant 0 : i32
    return %c0_i32, %c0_i32_0 : i32, i32
  }
  func.func @transform_5(%arg0: i32) -> (i32, i32) {
    %c0_i32 = arith.constant 0 : i32
    %c0_i32_0 = arith.constant 0 : i32
    %c0_i32_1 = arith.constant 0 : i32
    return %c0_i32, %c0_i32_0 : i32, i32
  }
  func.func @transform_6(%arg0: i32) -> (i32, i32) {
    %c0_i32 = arith.constant 0 : i32
    %c0_i32_0 = arith.constant 0 : i32
    return %arg0, %c0_i32 : i32, i32
  }
  func.func @transform_7(%arg0: i32) -> (i32, i32, i32) {
    %c0_i32 = arith.constant 0 : i32
    %c0_i32_0 = arith.constant 0 : i32
    %c0_i32_1 = arith.constant 0 : i32
    return %c0_i32, %arg0, %c0_i32_0 : i32, i32, i32
  }
}

module attributes {stable_mosaic.version = 14 : i64} {
  func.func @_final_body(%arg0: i32, %arg1: memref<512x128xf32, #tpu.memory_space<vmem>>, %arg2: memref<512x128xf32, #tpu.memory_space<vmem>>, %arg3: memref<2x512x128xf32, #tpu.memory_space<vmem>>, %arg4: memref<512x1xf32, #tpu.memory_space<vmem>>, %arg5: memref<1x256xf32, #tpu.memory_space<vmem>>, %arg6: memref<512x256xf32, #tpu.memory_space<vmem>>, %arg7: memref<512x256xf32, #tpu.memory_space<vmem>>, %arg8: memref<512x256xf32, #tpu.memory_space<vmem>>) attributes {dimension_semantics = [#tpu.dimension_semantics<arbitrary>], iteration_bounds = array<i64: 20>, scalar_prefetch = 0 : i64, scratch_operands = 0 : i64, tpu.core_type = #tpu.core_type<tc>, window_params = [{transform_indices = @transform_0, window_bounds = array<i64: 512, 128>}, {transform_indices = @transform_1, window_bounds = array<i64: 512, 128>}, {transform_indices = @transform_2, window_bounds = array<i64: 2, 512, 128>}, {transform_indices = @transform_3, window_bounds = array<i64: 512, 1>}, {pipeline_mode = #tpu.pipeline_mode<synchronous>, transform_indices = @transform_4, window_bounds = array<i64: 1, 256>}, {transform_indices = @transform_5, window_bounds = array<i64: 512, 256>}, {transform_indices = @transform_6, window_bounds = array<i64: 512, 256>}, {transform_indices = @transform_7, window_bounds = array<i64: 512, 256>}]} {
    %get3A = arith.constant 0 : index
    %get3A_0 = arith.constant 0 : index
    %get3A_1 = vector.load %arg1[%get3A, %get3A_0] : memref<512x128xf32, #tpu.memory_space<vmem>>, vector<512x128xf32>
    %get3A_2 = arith.constant 0 : index
    %get3A_3 = arith.constant 0 : index
    %get3A_4 = vector.load %arg2[%get3A_2, %get3A_3] : memref<512x128xf32, #tpu.memory_space<vmem>>, vector<512x128xf32>
    %concatenate3A = tpu.concatenate %get3A_1, %get3A_4 in 1 : vector<512x128xf32>, vector<512x128xf32> -> vector<512x256xf32>
    %get3A_5 = arith.constant 0 : index
    %get3A_6 = arith.constant 0 : index
    %get3A_7 = arith.constant 0 : index
    %get3A_8 = vector.load %arg3[%get3A_5, %get3A_6, %get3A_7] : memref<2x512x128xf32, #tpu.memory_space<vmem>>, vector<1x512x128xf32>
    %get3A_9 = vector.shape_cast %get3A_8 : vector<1x512x128xf32> to vector<512x128xf32>
    %get3A_10 = arith.constant 1 : index
    %get3A_11 = arith.constant 0 : index
    %get3A_12 = arith.constant 0 : index
    %get3A_13 = vector.load %arg3[%get3A_10, %get3A_11, %get3A_12] : memref<2x512x128xf32, #tpu.memory_space<vmem>>, vector<1x512x128xf32>
    %get3A_14 = vector.shape_cast %get3A_13 : vector<1x512x128xf32> to vector<512x128xf32>
    %concatenate3A_15 = tpu.concatenate %get3A_9, %get3A_14 in 1 : vector<512x128xf32>, vector<512x128xf32> -> vector<512x256xf32>
    %add3A = arith.addf %concatenate3A, %concatenate3A_15 : vector<512x256xf32>
    %get3A_16 = arith.constant 0 : index
    %get3A_17 = arith.constant 0 : index
    %get3A_18 = vector.load %arg4[%get3A_16, %get3A_17] : memref<512x1xf32, #tpu.memory_space<vmem>>, vector<512x1xf32>
    %mul3A = vector.broadcast %get3A_18 : vector<512x1xf32> to vector<512x256xf32>
    %mul3A_19 = arith.mulf %add3A, %mul3A : vector<512x256xf32>
    %get3A_20 = arith.constant 0 : index
    %get3A_21 = arith.constant 0 : index
    %get3A_22 = vector.load %arg5[%get3A_20, %get3A_21] : memref<1x256xf32, #tpu.memory_space<vmem>>, vector<1x256xf32>
    %add3A_23 = vector.broadcast %get3A_22 : vector<1x256xf32> to vector<512x256xf32>
    %add3A_24 = arith.addf %mul3A_19, %add3A_23 : vector<512x256xf32>
    %max3A = arith.constant 0.000000e+00 : f32
    %max3A_25 = vector.broadcast %max3A : f32 to vector<512x256xf32>
    %max3A_26 = arith.maximumf %add3A_24, %max3A_25 : vector<512x256xf32>
    %swap3A = arith.constant 0 : index
    %swap3A_27 = arith.constant 0 : index
    %swap3A_28 = vector.load %arg7[%swap3A, %swap3A_27] : memref<512x256xf32, #tpu.memory_space<vmem>>, vector<512x256xf32>
    tpu.vector_store %arg7[%swap3A, %swap3A_27], %max3A_26 {strides = array<i32>} : memref<512x256xf32, #tpu.memory_space<vmem>>, vector<512x256xf32>,
    %get3A_29 = arith.constant 0 : index
    %get3A_30 = arith.constant 0 : index
    %get3A_31 = vector.load %arg6[%get3A_29, %get3A_30] : memref<512x256xf32, #tpu.memory_space<vmem>>, vector<512x256xf32>
    %sub3A = arith.subf %max3A_26, %get3A_31 : vector<512x256xf32>
    %swap3A_32 = arith.constant 0 : index
    %swap3A_33 = arith.constant 0 : index
    %swap3A_34 = vector.load %arg8[%swap3A_32, %swap3A_33] : memref<512x256xf32, #tpu.memory_space<vmem>>, vector<512x256xf32>
    tpu.vector_store %arg8[%swap3A_32, %swap3A_33], %sub3A {strides = array<i32>} : memref<512x256xf32, #tpu.memory_space<vmem>>, vector<512x256xf32>,
    return
  }
  func.func @transform_0(%arg0: i32) -> (i32, i32) {
    %c0_i32 = arith.constant 0 : i32
    %c0_i32_0 = arith.constant 0 : i32
    return %arg0, %c0_i32 : i32, i32
  }
  func.func @transform_1(%arg0: i32) -> (i32, i32) {
    %add3A = arith.constant 20 : i32
    %add3A_0 = arith.addi %arg0, %add3A : i32
    %c0_i32 = arith.constant 0 : i32
    %c0_i32_1 = arith.constant 0 : i32
    return %add3A_0, %c0_i32 : i32, i32
  }
  func.func @transform_2(%arg0: i32) -> (i32, i32, i32) {
    %c0_i32 = arith.constant 0 : i32
    %c0_i32_0 = arith.constant 0 : i32
    %c0_i32_1 = arith.constant 0 : i32
    return %c0_i32, %arg0, %c0_i32_0 : i32, i32, i32
  }
  func.func @transform_3(%arg0: i32) -> (i32, i32) {
    %c0_i32 = arith.constant 0 : i32
    %c0_i32_0 = arith.constant 0 : i32
    return %arg0, %c0_i32 : i32, i32
  }
  func.func @transform_4(%arg0: i32) -> (i32, i32) {
    %c0_i32 = arith.constant 0 : i32
    %c0_i32_0 = arith.constant 0 : i32
    %c0_i32_1 = arith.constant 0 : i32
    return %c0_i32, %c0_i32_0 : i32, i32
  }
  func.func @transform_5(%arg0: i32) -> (i32, i32) {
    %c0_i32 = arith.constant 0 : i32
    %c0_i32_0 = arith.constant 0 : i32
    return %arg0, %c0_i32 : i32, i32
  }
  func.func @transform_6(%arg0: i32) -> (i32, i32) {
    %c0_i32 = arith.constant 0 : i32
    %c0_i32_0 = arith.constant 0 : i32
    return %arg0, %c0_i32 : i32, i32
  }
  func.func @transform_7(%arg0: i32) -> (i32, i32) {
    %c0_i32 = arith.constant 0 : i32
    %c0_i32_0 = arith.constant 0 : i32
    return %arg0, %c0_i32 : i32, i32
  }
}

</mosaic_0001>

<sc_bundles>
// kernel: kernel.12.cloned.1.call-start
scs
__scs_entry_jumppad:
0x0: {  	(pc) =	sbr.rel $0x88, $3  }
0x1: {  	(tag) =	ssettag $0x0;
	lr =	simm.s32 $0x1  }
0x2: {  	[smem:$0x3F9B] =	sst lr;
	_ =	strace $0xD0000000  }
0x3: {  	_ = 	snop  }
0x4: {  	_ = 	snop  }
0x5: {  	_ = 	snop  }
0x6: {  	_ = 	snop  }
0x7: {  	_ = 	snop  }
__scs_overlays_trampoline_lowered:
0x8: {  	[smem:$0x3FAA] =	sst s0  }
0x9: {  	[smem:$0x3FAB] =	sst s1  }
0xa: {  	[smem:$0x3FAC] =	sst s2  }
0xb: {  	[smem:$0x3FAD] =	sst s3  }
0xc: {  	[smem:$0x3FAE] =	sst s4  }
0xd: {  	[smem:$0x3FAF] =	sst s5  }
0xe: {  	[smem:$0x3FB0] =	sst s6  }
0xf: {  	[smem:$0x3FB1] =	sst s7  }
0x10: {  	[smem:$0x3FB2] =	sst s8  }
0x11: {  	[smem:$0x3FB3] =	sst s9;
	s0 =	simm.s32 @!p0 $0x0  }
0x12: {  	s1 =	sld [smem:$0x3F99];
	s0 =	simm.s32 @p0 $0x1  }
0x13: {  	[smem:$0x3FB4] =	sst s0;
	s0 =	simm.s32 @!p1 $0x0  }
0x14: {  	s2 =	sld [smem:$0x3F98];
	s0 =	simm.s32 @p1 $0x1  }
0x15: {  	[smem:$0x3FB5] =	sst s0;
	s0 =	simm.s32 @!p2 $0x0  }
0x16: {  	s3 =	sld [smem:$0x3FDB];
	s0 =	simm.s32 @p2 $0x1  }
0x17: {  	s4 =	simm.s32 $0x1BF5;
	[smem:$0x3FB7] =	sst s0  }
0x18: {  	s0 =	sld [smem:$0x3F9A];
	_ =	swait.ge [sflag:s4], $0x0  }
0x19: {  	s7 =	sld [smem:$0x3F9B]  }
0x1a: {  	s8 =	sadd.s32 $0xFFFFE003, lr  }
0x1b: {  	s9 =	sadd.s32 $0xFFFFFEF7, lr;
	s5 =	simm.s32 $0xFFFFFFFF;
	p2 =	slt.u32 s8, $0xFFFFF086  }
0x1c: {  	p1 =	slt.u32 s9, $0xF7A;
	s5 =	simm.s32 @!p2 $0x0  }
0x1d: {  	s5 =	simm.s32 @p1 $0x1;
	p0 =	seq.s32 s7, s2  }
0x1e: {  	s7 =	smul.u32 @!p0 $0xF7A, s2;
	p2 =	seq.s32 @!p0 s5, $0x0  }
0x1f: {  	s9 =	smul.u32 $0xF7A, s1;
	s8 =	simm.s32 @!p0 $0x1BF5;
	p2 =	por !p2, p0  }
0x20: {  	[sflag:s8] =	ssyncset.s32 @!p0 $0xFFFFF086;
	s6 =	sadd.s32 @!p0 s3, s7;
	s7 =	simm.s32 @!p0 $0x108  }
0x21: {  	s3 =	sadd.s32 s3, s9;
	s6 =	sadd.s32 @!p0 $0x88, s6;
	s7 =	simm.s32 @p2 $0x1082  }
0x22: {  	[simem:s7], [sflag:s8] =	dma.local @!p0 [hbm:s6], $0xF7A  }
0x23: {  	s9 =	sor.u32 $0xD0000000, s2;
	s6 =	simm.s32 $0x108;
	_ =	swait.ge @!p0 [sflag:s8], $0x0  }
0x24: {  	s3 =	sadd.s32 $0x88, s3;
	s6 =	simm.s32 @!p1 $0x1082;
	[sflag:s4] =	ssyncset.s32 $0xFFFFF086  }
0x25: {  	[simem:s6], [sflag:s4] =	dma.local [hbm:s3], $0xF7A  }
0x26: {  	[smem:$0x3F9B] =	sst s1;
	(tag) =	ssettag s2;
	_ =	strace s9  }
0x27: {  	s1 =	sld [smem:$0x3FAB]  }
0x28: {  	s2 =	sld [smem:$0x3FAC]  }
0x29: {  	s4 =	sld [smem:$0x3FAE]  }
0x2a: {  	p0 =	seq.s32 s5, $0x0;
	s5 =	sld [smem:$0x3FAF]  }
0x2b: {  	s6 =	sld [smem:$0x3FB0]  }
0x2c: {  	s7 =	sld [smem:$0x3FB1]  }
0x2d: {  	s3 =	simm.s32 $0x108;
	s8 =	sld [smem:$0x3FB2]  }
0x2e: {  	s3 =	simm.s32 @!p0 $0x1082;
	s9 =	sld [smem:$0x3FB3]  }
0x2f: {  	lr =	sadd.s32 s0, s3;
	s0 =	sld [smem:$0x3FAA]  }
0x30: {  	s3 =	sld [smem:$0x3FAD]  }
0x31: {  	[smem:$0x3FB6] =	sst s10  }
0x32: {  	s10 =	sld [smem:$0x3FB4];
	_ =	sdelay $0x3  }
0x33: {  	p0 =	seq.s32 s10, $0x1;
	s10 =	sld [smem:$0x3FB6];
	_ =	sdelay $0x3  }
0x34: {  	[smem:$0x3FB6] =	sst s10  }
0x35: {  	s10 =	sld [smem:$0x3FB5];
	_ =	sdelay $0x3  }
0x36: {  	p1 =	seq.s32 s10, $0x1;
	s10 =	sld [smem:$0x3FB6];
	_ =	sdelay $0x3  }
0x37: {  	[smem:$0x3FB6] =	sst s10  }
0x38: {  	s10 =	sld [smem:$0x3FB7]  }
0x39: {  	_ = 	snop;
	(pc) =	sbr.ind lr, $3  }
0x3a: {  	_ = 	snop  }
0x3b: {  	_ = 	snop  }
0x3c: {  	p2 =	seq.s32 s10, $0x1;
	s10 =	sld [smem:$0x3FB6]  }
0x3d: {  	_ =	shalt  }
0x3e: {  	_ =	shalt  }
0x3f: {  	_ =	shalt  }
0x40: {  	_ =	shalt  }
0x41: {  	_ =	shalt  }
0x42: {  	_ =	shalt  }
0x43: {  	_ =	shalt  }
0x44: {  	_ =	shalt  }
0x45: {  	_ =	shalt  }
0x46: {  	_ =	shalt  }
0x47: {  	_ =	shalt  }
0x48: {  	_ =	shalt  }
0x49: {  	_ =	shalt  }
0x4a: {  	_ =	shalt  }
0x4b: {  	_ =	shalt  }
0x4c: {  	_ =	shalt  }
0x4d: {  	_ =	shalt  }
0x4e: {  	_ =	shalt  }
0x4f: {  	_ =	shalt  }
0x50: {  	_ =	shalt  }
0x51: {  	_ =	shalt  }
0x52: {  	_ =	shalt  }
0x53: {  	_ =	shalt  }
0x54: {  	_ =	shalt  }
0x55: {  	_ =	shalt  }
0x56: {  	_ =	shalt  }
0x57: {  	_ =	shalt  }
0x58: {  	_ =	shalt  }
0x59: {  	_ =	shalt  }
0x5a: {  	_ =	shalt  }
0x5b: {  	_ =	shalt  }
0x5c: {  	_ =	shalt  }
0x5d: {  	_ =	shalt  }
0x5e: {  	_ =	shalt  }
0x5f: {  	_ =	shalt  }
0x60: {  	_ =	shalt  }
0x61: {  	_ =	shalt  }
0x62: {  	_ =	shalt  }
0x63: {  	_ =	shalt  }
0x64: {  	_ =	shalt  }
0x65: {  	_ =	shalt  }
0x66: {  	_ =	shalt  }
0x67: {  	_ =	shalt  }
0x68: {  	_ =	shalt  }
0x69: {  	_ =	shalt  }
0x6a: {  	_ =	shalt  }
0x6b: {  	_ =	shalt  }
0x6c: {  	_ =	shalt  }
0x6d: {  	_ =	shalt  }
0x6e: {  	_ =	shalt  }
0x6f: {  	_ =	shalt  }
0x70: {  	_ =	shalt  }
0x71: {  	_ =	shalt  }
0x72: {  	_ =	shalt  }
0x73: {  	_ =	shalt  }
0x74: {  	_ =	shalt  }
0x75: {  	_ =	shalt  }
0x76: {  	_ =	shalt  }
0x77: {  	_ =	shalt  }
0x78: {  	_ =	shalt  }
0x79: {  	_ =	shalt  }
0x7a: {  	_ =	shalt  }
0x7b: {  	_ =	shalt  }
0x7c: {  	_ =	shalt  }
0x7d: {  	_ =	shalt  }
0x7e: {  	_ =	shalt  }
0x7f: {  	_ =	shalt  }
0x80: {  	_ =	shalt  }
0x81: {  	_ =	shalt  }
0x82: {  	_ =	shalt  }
0x83: {  	_ =	shalt  }
0x84: {  	_ =	shalt  }
0x85: {  	_ =	shalt  }
0x86: {  	_ =	shalt  }
0x87: {  	_ =	shalt  }
.Lfunc_end0:
.L_simem_size_0:
called_computation.1_lowered:
.L_overlay_start_0:
0x88: {  	s2 =	sld [smem:$0x3FD9]  }
0x89: {  	s3 =	sld [smem:$0x3FFE];
	_ =	sdelay $0x1  }
0x8a: {  	s1 =	srdreg.scid  }
0x8b: {  	s0 =	sand.u32 $0x1, s1  }
0x8c: {  	s14 =	sshll.u32 s0, $0xA;
	s2 =	sadd.s32 s3, s2  }
0x8d: {  	s2 =	sadd.s32 s2, s14  }
0x8e: {  	[smem:$0x3FC2] =	sst s2  }
0x8f: {  	_ = 	snop  }
0x90: {  	s2 =	sld [smem:$0x3FD0];
	_ =	sdelay $0x2  }
0x91: {  	s15 =	simm.s32 $0xA;
	s4 =	simm.s32 $0x10  }
0x92: {  	[smem:s4], [sflag:s15] =	dma.local [hbm:s2], $0x1  }
0x93: {  	_ =	swait.eq [sflag:s15], $0x1  }
0x94: {  	[sflag:s15] =	ssyncset.done $0x0  }
0x95: {  	[sflag:s15] =	ssyncadd.s32 $0xFFFFFFFF  }
0x96: {  	s16 =	sld [smem:$0x10];
	(tm) =	ssettm $0x1  }
0x97: {  	s17 =	sld [smem:$0x3FFB];
	_ =	sdelay $0x3  }
0x98: {  	_ =	strace s17  }
0x99: {  	s3 =	sld [smem:$0x3FFC];
	_ =	sdelay $0x3  }
0x9a: {  	_ =	strace s3  }
0x9b: {  	s3 =	sld [smem:$0x3FFD];
	_ =	sdelay $0x3  }
0x9c: {  	_ =	strace s3  }
0x9d: {  	_ =	strace $0x8FFFFFFF  }
0x9e: {  	s18 =	sld [smem:$0x3FDB];
	_ =	sdelay $0x1  }
0x9f: {  	s19 =	simm.s32 $_scs_section_size  }
0xa0: {  	s5 =	simm.s32 $_size__tile_overlayer_lowered;
	s6 =	simm.s32 $_tile_overlayer_lowered  }
0xa1: {  	s22 =	simm.s32 $0x1BFF;
	s21 =	sshll.u32 s6, $0x1;
	s3 =	sadd.s32 s19, s18  }
0xa2: {  	s7 =	simm.s32 $0x0;
	s20 =	sshll.u32 s5, $0x1;
	s5 =	sadd.s32 s21, s3  }
0xa3: {  	[timem:s7], [sflag:s22] =	dma.local [hbm:s5], s20  }
0xa4: {  	_ =	swait.ge [sflag:s22], s20  }
0xa5: {  	s4 =	ssub.s32 $0x0, s20;
	[sflag:s22] =	ssyncset.done $0x0  }
0xa6: {  	[sflag:s22] =	ssyncadd.s32 s4;
	_ =	sdelay $0x1  }
0xa7: {  	s23 =	simm.s32 $0x1B8B  }
0xa8: {  	_ =	swait.ge [sflag:s23], $0x1  }
0xa9: {  	[sflag:s23] =	ssyncset.done $0x0  }
0xaa: {  	s25 =	simm.s32 $0x1B8E;
	s24 =	sld [smem:$0x3FFE];
	[sflag:s23] =	ssyncadd.s32 $0xFFFFFFFF  }
0xab: {  	s26 =	simm.s32 $execute0_lowered;
	[smem:$0x3FD2] =	sst s25  }
0xac: {  	s5 =	sshll.u32 s26, $0x1;
	_ =	strace $0x80000049;
	[dreg:$0x1] =	wrdreg $0xFFFFFFFF  }
0xad: {  	s28 =	simm.s32 $_size_execute0_lowered;
	s3 =	sadd.s32 s3, s5;
	[dreg:$0x0] =	wrdreg $0x0  }
0xae: {  	s5 =	sshll.u32 s28, $0x1;
	[dreg:$0x2] =	wrdreg s3  }
0xaf: {  	[dreg:$0x3] =	wrdreg s5  }
0xb0: {  	[dreg:$0x4] =	wrdreg $0xC0  }
0xb1: {  	_ =	task [dreg:s7], $0x5FFFF  }
0xb2: {  	[dreg:$0x1] =	wrdreg $0xFFFFFFFF  }
0xb3: {  	[dreg:$0x0] =	wrdreg $0x60  }
0xb4: {  	[dreg:$0x2] =	wrdreg s16  }
0xb5: {  	[dreg:$0x3] =	wrdreg s24  }
0xb6: {  	[dreg:$0x4] =	wrdreg $0x9  }
0xb7: {  	_ =	task.clear_ibuf [dreg:s7], $0x5FFFF;
	_ =	strace $0x90000049  }
0xb8: {  	s29 =	simm.s32 $0x9;
	_ =	strace $0x8000004B  }
0xb9: {  	_ =	swait.ge [sflag:s29], $0x1  }
0xba: {  	[sflag:s29] =	ssyncadd.s32 $0xFFFFFFFF  }
0xbb: {  	_ =	strace $0x9000004B  }
0xbc: {  	_ =	sfence  }
0xbd: {  	s30 =	sld [smem:$0x0];
	_ =	sdelay $0x2  }
0xbe: {  	s31 =	sshll.u32 s1, $0xD;
	s1 =	sshrl.u32 s1, $0x2  }
0xbf: {  	s3 =	sand.u32 $0x4000, s31;
	s1 =	sadd.s32 s1, s30  }
0xc0: {  	s0 =	sor.u32 s3, s0;
	s1 =	sshll.u32 s1, $0x11  }
0xc1: {  	s0 =	sor.u32 s1, s0  }
0xc2: {  	s0 =	sadd.s32 $0x8F2B, s0  }
0xc3: {  	[sflag:s0] =	ssyncadd.remote.s32 $0x1  }
0xc4: {  	_ =	sfence.sel $0xFFFF  }
0xc5: {  	[dreg:$0x0] =	wrdreg $0xFFFFFFFF;
	(pc) =	sbr.abs _section_cstart, $3  }
0xc6: {  	[dreg:$0x1] =	wrdreg $0xFFFFFFFF  }
0xc7: {  	_ =	task.clear_ibuf [dreg:s7], $0x2FFFF;
	_ =	strace $0x9FFFFFFF  }
0xc8: {  	(tm) =	ssettm $0x7FFFFFFF  }
0xc9: {  	_ =	shalt  }
tec
execute0_lowered:
.L_overlay_start_1:
0x0: {  	(tag) =	ssettag $0x1  }
0x1: {  	s5 =	rddreg [dreg:$0x0]  }
0x2: {  	s3 =	rddreg [dreg:$0x1];
	s1 =	srdreg.scid  }
0x3: {  	s0 =	rddreg [dreg:$0x2];
	s4 =	sand.u32 $0x1, s1  }
0x4: {  	s2 =	simm.s32 $0x0;
	s1 =	stileid.u32;
	s7 =	smul.u32 $0x1400, s4  }
0x5: {  	[smem:$0x7FF] =	sst s2;
	s6 =	sshll.u32 s4, $0x4;
	s8 =	smul.u32 $0x140, s1  }
0x6: {  	s4 =	ssub.s32 $0x2, s4;
	_ =	strace $0x8000004A;
	s6 =	sor.u32 s1, s6  }
0x7: {  	s30 =	sshrl.u32 s4, $0x1;
	s6 =	smul.u32 $0x28, s6;
	s7 =	sadd.s32 s8, s7  }
0x8: {  	s4 =	ssub.s32 s4, s30;
	s8 =	simm.s32 $0x0;
	s31 =	sshrl.u32 s7, $0x3  }
0x9: {  	s4 =	smax.u32 s4, $0x1;
	s7 =	simm.s32 $0x2800;
	s3 =	sadd.s32 s6, s3  }
0xa: {  	s5 =	sadd.s32 s31, s5;
	s6 =	simm.s32 $0x1;
	s3 =	sadd.s32 $0x6E00, s3  }
.LBB2_1:
0xb: {  	s9 =	simm.s32 $0x0;
	s10 =	sadd.s32 $0x0, s5  }
0xc: {  	[tilespmem:s9], [sflag:$0x1] =	stream.linear.gather [hbm4b:s10+s2], $0x140, $0x38;
	[tilespmem:$0x2980] =	vst v63  }
0xd: {  	s9 =	simm.s32 $0x500;
	_ =	swait.ge [sflag:s6], $0x140  }
.LBB2_2:
0xe: {  	s10 =	sshra.s32 s9, $0x2  }
0xf: {  	[sflag:s6] =	ssyncset.done $0x0;
	s11 =	sadd.s32 s9, s5;
	p0 =	sne.s32 s9, $0x9B00  }
.Ltmp0:
0x10: {  	s12 =	simm.s32 $0x0;
	[sflag:s6] =	ssyncadd.s32 $0xFFFFFEC0;
	(pc) =	sbr.rel @p0 .LBB2_2-.Ltmp0, $4  }
0x11: {  	[tilespmem:s10], [sflag:$0x1] =	stream.linear.gather [hbm4b:s11+s12], $0x140, $0x38;
	[tilespmem:$0x2980] =	vst v63  }
0x12: {  	_ = 	snop  }
0x13: {  	s9 =	sadd.s32 $0x500, s9  }
0x14: {  	_ =	swait.ge [sflag:s6], $0x140  }
0x15: {  	[sflag:s6] =	ssyncset.done $0x0  }
0x16: {  	s11 =	simm.s32 $0x0;
	[sflag:s6] =	ssyncadd.s32 $0xFFFFFEC0  }
0x17: {  	v0 =	vld [tilespmem:s11+$0x0];
	_ =	sdelay $0x1  }
0x18: {  	v1 =	vld [tilespmem:s11+$0x140];
	_ =	sdelay $0x1  }
0x19: {  	v2 =	vld [tilespmem:s11+$0x280]  }
0x1a: {  	v0 =	vadd.f32 $0.0e+00, v0  }
0x1b: {  	v3 =	vld [tilespmem:s11+$0x3C0]  }
0x1c: {  	v0 =	vadd.f32 v1, v0  }
0x1d: {  	v1 =	vld [tilespmem:s11+$0x500]  }
0x1e: {  	v0 =	vadd.f32 v2, v0  }
0x1f: {  	v2 =	vld [tilespmem:s11+$0x640]  }
0x20: {  	v0 =	vadd.f32 v3, v0  }
0x21: {  	v3 =	vld [tilespmem:s11+$0x780]  }
0x22: {  	v0 =	vadd.f32 v1, v0  }
0x23: {  	v1 =	vld [tilespmem:s11+$0x8C0]  }
0x24: {  	v0 =	vadd.f32 v2, v0  }
0x25: {  	v2 =	vld [tilespmem:s11+$0xA00]  }
0x26: {  	v0 =	vadd.f32 v3, v0  }
0x27: {  	v3 =	vld [tilespmem:s11+$0xB40]  }
0x28: {  	v0 =	vadd.f32 v1, v0  }
0x29: {  	v1 =	vld [tilespmem:s11+$0xC80]  }
0x2a: {  	v0 =	vadd.f32 v2, v0  }
0x2b: {  	v2 =	vld [tilespmem:s11+$0xDC0]  }
0x2c: {  	v0 =	vadd.f32 v3, v0  }
0x2d: {  	v3 =	vld [tilespmem:s11+$0xF00]  }
0x2e: {  	v0 =	vadd.f32 v1, v0  }
0x2f: {  	v1 =	vld [tilespmem:s11+$0x1040]  }
0x30: {  	v0 =	vadd.f32 v2, v0  }
0x31: {  	v2 =	vld [tilespmem:s11+$0x1180]  }
0x32: {  	v0 =	vadd.f32 v3, v0  }
0x33: {  	s10 =	simm.s32 $0x10;
	v3 =	vld [tilespmem:s11+$0x12C0]  }
0x34: {  	v4 =	vld [tilespmem:s10+$0x0];
	v0 =	vadd.f32 v1, v0  }
0x35: {  	v1 =	vld [tilespmem:s11+$0x1400]  }
0x36: {  	v5 =	vld [tilespmem:s10+$0x140];
	v0 =	vadd.f32 v2, v0  }
0x37: {  	v2 =	vld [tilespmem:s11+$0x1540]  }
0x38: {  	v6 =	vld [tilespmem:s10+$0x280];
	v0 =	vadd.f32 v3, v0  }
0x39: {  	v3 =	vld [tilespmem:s11+$0x1680]  }
0x3a: {  	v7 =	vld [tilespmem:s10+$0x3C0];
	v4 =	vadd.f32 $0.0e+00, v4;
	v0 =	vadd.f32 v1, v0  }
0x3b: {  	v1 =	vld [tilespmem:s11+$0x17C0]  }
0x3c: {  	v4 =	vadd.f32 v5, v4;
	v5 =	vld [tilespmem:s10+$0x500];
	v0 =	vadd.f32 v2, v0  }
0x3d: {  	v2 =	vld [tilespmem:s11+$0x1900]  }
0x3e: {  	v4 =	vadd.f32 v6, v4;
	v6 =	vld [tilespmem:s10+$0x640];
	v0 =	vadd.f32 v3, v0  }
0x3f: {  	v3 =	vld [tilespmem:s11+$0x1A40]  }
0x40: {  	v4 =	vadd.f32 v7, v4;
	v7 =	vld [tilespmem:s10+$0x780];
	v0 =	vadd.f32 v1, v0  }
0x41: {  	v1 =	vld [tilespmem:s11+$0x1B80]  }
0x42: {  	v4 =	vadd.f32 v5, v4;
	v5 =	vld [tilespmem:s10+$0x8C0];
	v0 =	vadd.f32 v2, v0  }
0x43: {  	v2 =	vld [tilespmem:s11+$0x1CC0]  }
0x44: {  	v4 =	vadd.f32 v6, v4;
	v6 =	vld [tilespmem:s10+$0xA00];
	v0 =	vadd.f32 v3, v0  }
0x45: {  	v3 =	vld [tilespmem:s11+$0x1E00]  }
0x46: {  	v4 =	vadd.f32 v7, v4;
	v7 =	vld [tilespmem:s10+$0xB40];
	v0 =	vadd.f32 v1, v0  }
0x47: {  	v1 =	vld [tilespmem:s11+$0x1F40]  }
0x48: {  	v4 =	vadd.f32 v5, v4;
	v5 =	vld [tilespmem:s10+$0xC80];
	v0 =	vadd.f32 v2, v0  }
0x49: {  	v2 =	vld [tilespmem:s11+$0x2080]  }
0x4a: {  	v4 =	vadd.f32 v6, v4;
	v6 =	vld [tilespmem:s10+$0xDC0];
	v0 =	vadd.f32 v3, v0  }
0x4b: {  	v3 =	vld [tilespmem:s11+$0x21C0]  }
0x4c: {  	v4 =	vadd.f32 v7, v4;
	v7 =	vld [tilespmem:s10+$0xF00];
	v0 =	vadd.f32 v1, v0  }
0x4d: {  	v1 =	vld [tilespmem:s11+$0x2300]  }
0x4e: {  	v4 =	vadd.f32 v5, v4;
	v5 =	vld [tilespmem:s10+$0x1040];
	v0 =	vadd.f32 v2, v0  }
0x4f: {  	v2 =	vld [tilespmem:s11+$0x2440]  }
0x50: {  	v4 =	vadd.f32 v6, v4;
	v6 =	vld [tilespmem:s10+$0x1180];
	v0 =	vadd.f32 v3, v0  }
0x51: {  	v3 =	vld [tilespmem:s11+$0x2580]  }
0x52: {  	v4 =	vadd.f32 v7, v4;
	v7 =	vld [tilespmem:s10+$0x12C0];
	v0 =	vadd.f32 v1, v0  }
0x53: {  	s9 =	simm.s32 $0x20;
	v1 =	vld [tilespmem:s11+$0x26C0]  }
0x54: {  	v8 =	vld [tilespmem:s9+$0x0];
	v4 =	vadd.f32 v5, v4;
	v0 =	vadd.f32 v2, v0  }
0x55: {  	v2 =	vld [tilespmem:s10+$0x1400]  }
0x56: {  	v5 =	vld [tilespmem:s9+$0x140];
	v4 =	vadd.f32 v6, v4;
	v0 =	vadd.f32 v3, v0  }
0x57: {  	v3 =	vld [tilespmem:s10+$0x1540]  }
0x58: {  	v6 =	vld [tilespmem:s9+$0x280];
	v4 =	vadd.f32 v7, v4;
	v0 =	vadd.f32 v1, v0  }
0x59: {  	v7 =	vld [tilespmem:s10+$0x1680];
	v1 =	vadd.f32 $0.0e+00, v8  }
0x5a: {  	v8 =	vld [tilespmem:s9+$0x3C0];
	v2 =	vadd.f32 v2, v4;
	v0 =	vadd.f32 $1.000000000e+00, v0  }
0x5b: {  	v4 =	vld [tilespmem:s10+$0x17C0];
	v1 =	vadd.f32 v5, v1  }
0x5c: {  	v5 =	vld [tilespmem:s9+$0x500];
	v2 =	vadd.f32 v3, v2;
	v3 =	vshra.s32 v0, $0x1;
	v0 =	vmul.f32 $5.000000000e-01, v0  }
0x5d: {  	v1 =	vadd.f32 v6, v1;
	v6 =	vld [tilespmem:s10+$0x1900];
	v3 =	vsub.s32 $0x5F3759DF, v3  }
0x5e: {  	v9 =	vld [tilespmem:s9+$0x640];
	v2 =	vadd.f32 v7, v2;
	v7 =	vmul.f32 v3, v0  }
0x5f: {  	v1 =	vadd.f32 v8, v1;
	v8 =	vld [tilespmem:s10+$0x1A40]  }
0x60: {  	v10 =	vld [tilespmem:s9+$0x780];
	v2 =	vadd.f32 v4, v2;
	v4 =	vmul.f32 v3, v7  }
0x61: {  	v1 =	vadd.f32 v5, v1;
	v5 =	vld [tilespmem:s10+$0x1B80]  }
0x62: {  	v7 =	vld [tilespmem:s9+$0x8C0];
	v2 =	vadd.f32 v6, v2;
	v4 =	vsub.f32 $1.500000000e+00, v4  }
0x63: {  	v6 =	vld [tilespmem:s10+$0x1CC0];
	v1 =	vadd.f32 v9, v1  }
0x64: {  	v59 =	vld [tilespmem:s9+$0xA00];
	v2 =	vadd.f32 v8, v2;
	v3 =	vmul.f32 v3, v4  }
0x65: {  	v1 =	vadd.f32 v10, v1;
	v4 =	vld [tilespmem:s10+$0x1E00]  }
0x66: {  	v8 =	vld [tilespmem:s9+$0xB40];
	v2 =	vadd.f32 v5, v2;
	v5 =	vmul.f32 v3, v0  }
0x67: {  	v1 =	vadd.f32 v7, v1;
	v7 =	vld [tilespmem:s10+$0x1F40]  }
0x68: {  	v60 =	vld [tilespmem:s9+$0xC80];
	v2 =	vadd.f32 v6, v2;
	v5 =	vmul.f32 v5, v3  }
0x69: {  	v6 =	vld [tilespmem:s10+$0x2080];
	v1 =	vadd.f32 v59, v1  }
0x6a: {  	v61 =	vld [tilespmem:s9+$0xDC0];
	v2 =	vadd.f32 v4, v2;
	v4 =	vsub.f32 $1.500000000e+00, v5  }
0x6b: {  	v1 =	vadd.f32 v8, v1;
	v5 =	vld [tilespmem:s10+$0x21C0]  }
0x6c: {  	v8 =	vld [tilespmem:s9+$0xF00];
	v2 =	vadd.f32 v7, v2;
	v7 =	vmul.f32 v4, v3  }
0x6d: {  	v1 =	vadd.f32 v60, v1;
	v3 =	vld [tilespmem:s10+$0x2300]  }
0x6e: {  	v62 =	vld [tilespmem:s9+$0x1040];
	v2 =	vadd.f32 v6, v2;
	v0 =	vmul.f32 v7, v0  }
0x6f: {  	v6 =	vld [tilespmem:s10+$0x2440];
	v1 =	vadd.f32 v61, v1  }
0x70: {  	v4 =	vld [tilespmem:s10+$0x2580];
	v2 =	vadd.f32 v5, v2;
	v0 =	vmul.f32 v0, v7  }
0x71: {  	v8 =	vadd.f32 v8, v1;
	v1 =	vld [tilespmem:s9+$0x1180]  }
0x72: {  	v63 =	vadd.f32 v3, v2;
	v3 =	vld [tilespmem:s10+$0x26C0];
	v11 =	vsub.f32 $1.500000000e+00, v0  }
0x73: {  	s12 =	simm.s32 $0x30;
	v0 =	vld [tilespmem:s9+$0x12C0]  }
0x74: {  	s13 =	simm.s32 $0x100;
	v5 =	vld [tilespmem:s12+$0x0];
	v2 =	vadd.f32 v62, v8;
	v6 =	vadd.f32 v6, v63;
	v7 =	vmul.f32 v11, v7  }
.LBB2_4:
0x75: {  	p0 =	sne.s32 s13, $0x4C0;
	v8 =	vld [tilespmem:s9+$0x1400]  }
0x76: {  	v9 =	vld [tilespmem:s12+$0x140];
	v1 =	vadd.f32 v1, v2;
	v2 =	vadd.f32 v4, v6;
	[tilespmem:s11+$0x2800] =	vst v7;
	s11 =	smov.u32 s10;
	s10 =	smov.u32 s9;
	s9 =	smov.u32 s12  }
0x77: {  	v4 =	vld [tilespmem:s10+$0x1540]  }
0x78: {  	v6 =	vld [tilespmem:s9+$0x280];
	v0 =	vadd.f32 v0, v1;
	v1 =	vadd.f32 v3, v2  }
0x79: {  	v2 =	vadd.f32 $0.0e+00, v5;
	v3 =	vld [tilespmem:s10+$0x1680]  }
0x7a: {  	v5 =	vld [tilespmem:s9+$0x3C0];
	v0 =	vadd.f32 v8, v0;
	v1 =	vadd.f32 $1.000000000e+00, v1  }
0x7b: {  	v2 =	vadd.f32 v9, v2;
	v7 =	vld [tilespmem:s10+$0x17C0]  }
0x7c: {  	v8 =	vld [tilespmem:s9+$0x500];
	v0 =	vadd.f32 v4, v0;
	v4 =	vshra.s32 v1, $0x1;
	v1 =	vmul.f32 $5.000000000e-01, v1  }
0x7d: {  	v2 =	vadd.f32 v6, v2;
	v6 =	vld [tilespmem:s10+$0x1900];
	v4 =	vsub.s32 $0x5F3759DF, v4  }
0x7e: {  	v9 =	vld [tilespmem:s9+$0x640];
	v0 =	vadd.f32 v3, v0;
	v3 =	vmul.f32 v4, v1  }
0x7f: {  	v2 =	vadd.f32 v5, v2;
	v5 =	vld [tilespmem:s10+$0x1A40]  }
0x80: {  	v10 =	vld [tilespmem:s9+$0x780];
	v0 =	vadd.f32 v7, v0;
	v3 =	vmul.f32 v4, v3  }
0x81: {  	v2 =	vadd.f32 v8, v2;
	v7 =	vld [tilespmem:s10+$0x1B80]  }
0x82: {  	v8 =	vld [tilespmem:s9+$0x8C0];
	v0 =	vadd.f32 v6, v0;
	v3 =	vsub.f32 $1.500000000e+00, v3  }
0x83: {  	v2 =	vadd.f32 v9, v2;
	v6 =	vld [tilespmem:s10+$0x1CC0]  }
0x84: {  	v9 =	vld [tilespmem:s9+$0xA00];
	v0 =	vadd.f32 v5, v0;
	v3 =	vmul.f32 v4, v3  }
0x85: {  	v2 =	vadd.f32 v10, v2;
	v4 =	vld [tilespmem:s10+$0x1E00]  }
0x86: {  	v5 =	vld [tilespmem:s9+$0xB40];
	v0 =	vadd.f32 v7, v0;
	v7 =	vmul.f32 v3, v1  }
0x87: {  	v2 =	vadd.f32 v8, v2;
	v8 =	vld [tilespmem:s10+$0x1F40]  }
0x88: {  	v10 =	vld [tilespmem:s9+$0xC80];
	v0 =	vadd.f32 v6, v0;
	v6 =	vmul.f32 v7, v3  }
0x89: {  	v2 =	vadd.f32 v9, v2;
	v7 =	vld [tilespmem:s10+$0x2080]  }
0x8a: {  	v9 =	vld [tilespmem:s9+$0xDC0];
	v0 =	vadd.f32 v4, v0;
	v4 =	vsub.f32 $1.500000000e+00, v6  }
0x8b: {  	v2 =	vadd.f32 v5, v2;
	v5 =	vld [tilespmem:s10+$0x21C0]  }
0x8c: {  	v6 =	vld [tilespmem:s9+$0xF00];
	v0 =	vadd.f32 v8, v0;
	v8 =	vmul.f32 v4, v3  }
0x8d: {  	v2 =	vadd.f32 v10, v2;
	v3 =	vld [tilespmem:s10+$0x2300]  }
0x8e: {  	v0 =	vadd.f32 v7, v0;
	v7 =	vld [tilespmem:s10+$0x2440];
	v1 =	vmul.f32 v8, v1  }
0x8f: {  	v2 =	vadd.f32 v9, v2;
	v9 =	vld [tilespmem:s9+$0x1040]  }
.Ltmp1:
0x90: {  	v0 =	vadd.f32 v5, v0;
	v4 =	vld [tilespmem:s10+$0x2580];
	v5 =	vmul.f32 v1, v8;
	(pc) =	sbr.rel @p0 .LBB2_4-.Ltmp1, $4  }
0x91: {  	v2 =	vadd.f32 v6, v2;
	v1 =	vld [tilespmem:s9+$0x1180]  }
0x92: {  	v6 =	vadd.f32 v3, v0;
	v3 =	vld [tilespmem:s10+$0x26C0];
	v10 =	vsub.f32 $1.500000000e+00, v5  }
0x93: {  	s12 =	sshra.s32 s13, $0x2;
	v0 =	vld [tilespmem:s9+$0x12C0]  }
0x94: {  	s13 =	sadd.s32 $0x40, s13;
	v5 =	vld [tilespmem:s12+$0x0];
	v2 =	vadd.f32 v9, v2;
	v6 =	vadd.f32 v7, v6;
	v7 =	vmul.f32 v10, v8  }
0x95: {  	_ = 	snop  }
0x96: {  	v4 =	vadd.f32 v4, v6  }
0x97: {  	v9 =	vld [tilespmem:s12+$0x140]  }
0x98: {  	v8 =	vld [tilespmem:s9+$0x1400];
	[tilespmem:s11+$0x2800] =	vst v7;
	v3 =	vadd.f32 v3, v4  }
0x99: {  	v27 =	vld [tilespmem:s12+$0x280]  }
0x9a: {  	v26 =	vld [tilespmem:s9+$0x1540];
	v5 =	vadd.f32 $0.0e+00, v5;
	v3 =	vadd.f32 $1.000000000e+00, v3  }
0x9b: {  	v10 =	vld [tilespmem:s12+$0x3C0]  }
0x9c: {  	v7 =	vld [tilespmem:s9+$0x1680];
	v5 =	vadd.f32 v9, v5;
	v11 =	vshra.s32 v3, $0x1;
	v3 =	vmul.f32 $5.000000000e-01, v3  }
0x9d: {  	v12 =	vld [tilespmem:s12+$0x500];
	v11 =	vsub.s32 $0x5F3759DF, v11  }
0x9e: {  	v28 =	vld [tilespmem:s9+$0x17C0];
	v4 =	vadd.f32 v27, v5;
	v13 =	vmul.f32 v11, v3  }
0x9f: {  	v14 =	vld [tilespmem:s12+$0x640]  }
0xa0: {  	v29 =	vld [tilespmem:s9+$0x1900];
	v4 =	vadd.f32 v10, v4;
	v13 =	vmul.f32 v11, v13  }
0xa1: {  	v15 =	vld [tilespmem:s12+$0x780]  }
0xa2: {  	v30 =	vld [tilespmem:s9+$0x1A40];
	v4 =	vadd.f32 v12, v4;
	v13 =	vsub.f32 $1.500000000e+00, v13  }
0xa3: {  	v16 =	vld [tilespmem:s12+$0x8C0]  }
0xa4: {  	v31 =	vld [tilespmem:s9+$0x1B80];
	v4 =	vadd.f32 v14, v4;
	v11 =	vmul.f32 v11, v13  }
0xa5: {  	v33 =	vld [tilespmem:s12+$0xA00]  }
0xa6: {  	v32 =	vld [tilespmem:s9+$0x1CC0];
	v4 =	vadd.f32 v15, v4;
	v17 =	vmul.f32 v11, v3  }
0xa7: {  	v18 =	vld [tilespmem:s12+$0xB40]  }
0xa8: {  	v34 =	vld [tilespmem:s9+$0x1E00];
	v4 =	vadd.f32 v16, v4;
	v17 =	vmul.f32 v17, v11  }
0xa9: {  	v19 =	vld [tilespmem:s12+$0xC80]  }
0xaa: {  	v35 =	vld [tilespmem:s9+$0x1F40];
	v4 =	vadd.f32 v33, v4;
	v17 =	vsub.f32 $1.500000000e+00, v17  }
0xab: {  	v20 =	vld [tilespmem:s12+$0xDC0]  }
0xac: {  	v36 =	vld [tilespmem:s9+$0x2080];
	v4 =	vadd.f32 v18, v4;
	v11 =	vmul.f32 v17, v11  }
0xad: {  	v38 =	vld [tilespmem:s12+$0xF00]  }
0xae: {  	v37 =	vld [tilespmem:s9+$0x21C0];
	v4 =	vadd.f32 v19, v4;
	v3 =	vmul.f32 v11, v3  }
0xaf: {  	v21 =	vld [tilespmem:s12+$0x1040]  }
0xb0: {  	v39 =	vld [tilespmem:s9+$0x2300];
	v4 =	vadd.f32 v20, v4;
	v3 =	vmul.f32 v3, v11  }
0xb1: {  	v40 =	vld [tilespmem:s12+$0x1180]  }
0xb2: {  	v22 =	vld [tilespmem:s9+$0x2440];
	v4 =	vadd.f32 v38, v4;
	v3 =	vsub.f32 $1.500000000e+00, v3  }
0xb3: {  	v41 =	vld [tilespmem:s12+$0x12C0]  }
0xb4: {  	v23 =	vld [tilespmem:s9+$0x2580];
	v4 =	vadd.f32 v21, v4;
	v3 =	vmul.f32 v3, v11  }
0xb5: {  	v1 =	vadd.f32 v1, v2;
	v43 =	vld [tilespmem:s12+$0x1400]  }
0xb6: {  	v42 =	vld [tilespmem:s9+$0x26C0];
	v4 =	vadd.f32 v40, v4;
	[tilespmem:s10+$0x2800] =	vst v3  }
0xb7: {  	v0 =	vadd.f32 v0, v1;
	v44 =	vld [tilespmem:s12+$0x1540]  }
0xb8: {  	v45 =	vadd.f32 v41, v4  }
0xb9: {  	v0 =	vadd.f32 v8, v0;
	v46 =	vld [tilespmem:s12+$0x1680]  }
0xba: {  	v2 =	vadd.f32 v43, v45  }
0xbb: {  	v0 =	vadd.f32 v26, v0;
	v47 =	vld [tilespmem:s12+$0x17C0]  }
0xbc: {  	v1 =	vadd.f32 v44, v2  }
0xbd: {  	v0 =	vadd.f32 v7, v0;
	v48 =	vld [tilespmem:s12+$0x1900]  }
0xbe: {  	v1 =	vadd.f32 v46, v1  }
0xbf: {  	v0 =	vadd.f32 v28, v0;
	v49 =	vld [tilespmem:s12+$0x1A40]  }
0xc0: {  	v1 =	vadd.f32 v47, v1  }
0xc1: {  	v0 =	vadd.f32 v29, v0;
	v50 =	vld [tilespmem:s12+$0x1B80]  }
0xc2: {  	v1 =	vadd.f32 v48, v1  }
0xc3: {  	v0 =	vadd.f32 v30, v0;
	v51 =	vld [tilespmem:s12+$0x1CC0]  }
0xc4: {  	v1 =	vadd.f32 v49, v1  }
0xc5: {  	v0 =	vadd.f32 v31, v0;
	v52 =	vld [tilespmem:s12+$0x1E00]  }
0xc6: {  	v1 =	vadd.f32 v50, v1  }
0xc7: {  	v0 =	vadd.f32 v32, v0;
	v53 =	vld [tilespmem:s12+$0x1F40]  }
0xc8: {  	v1 =	vadd.f32 v51, v1  }
0xc9: {  	v0 =	vadd.f32 v34, v0;
	v54 =	vld [tilespmem:s12+$0x2080]  }
0xca: {  	v1 =	vadd.f32 v52, v1  }
0xcb: {  	v0 =	vadd.f32 v35, v0;
	v55 =	vld [tilespmem:s12+$0x21C0]  }
0xcc: {  	v1 =	vadd.f32 v53, v1  }
0xcd: {  	v0 =	vadd.f32 v36, v0;
	v56 =	vld [tilespmem:s12+$0x2300]  }
0xce: {  	v1 =	vadd.f32 v54, v1  }
0xcf: {  	v0 =	vadd.f32 v37, v0;
	v57 =	vld [tilespmem:s12+$0x2440]  }
0xd0: {  	v1 =	vadd.f32 v55, v1  }
0xd1: {  	v0 =	vadd.f32 v39, v0;
	v58 =	vld [tilespmem:s12+$0x2580]  }
0xd2: {  	v1 =	vadd.f32 v56, v1  }
0xd3: {  	v0 =	vadd.f32 v22, v0;
	v59 =	vld [tilespmem:s12+$0x26C0]  }
0xd4: {  	v1 =	vadd.f32 v57, v1  }
0xd5: {  	v0 =	vadd.f32 v23, v0  }
0xd6: {  	v1 =	vadd.f32 v58, v1  }
0xd7: {  	v0 =	vadd.f32 v42, v0  }
0xd8: {  	v1 =	vadd.f32 v59, v1  }
0xd9: {  	v0 =	vadd.f32 $1.000000000e+00, v0  }
0xda: {  	v1 =	vadd.f32 $1.000000000e+00, v1  }
0xdb: {  	v60 =	vshra.s32 v0, $0x1;
	v0 =	vmul.f32 $5.000000000e-01, v0  }
0xdc: {  	v2 =	vsub.s32 $0x5F3759DF, v60;
	v61 =	vshra.s32 v1, $0x1;
	v1 =	vmul.f32 $5.000000000e-01, v1  }
0xdd: {  	v62 =	vmul.f32 v2, v0;
	v3 =	vsub.s32 $0x5F3759DF, v61  }
0xde: {  	v63 =	vmul.f32 v3, v1  }
0xdf: {  	v4 =	vmul.f32 v2, v62  }
0xe0: {  	v5 =	vmul.f32 v3, v63  }
0xe1: {  	v4 =	vsub.f32 $1.500000000e+00, v4  }
0xe2: {  	v5 =	vsub.f32 $1.500000000e+00, v5  }
0xe3: {  	v2 =	vmul.f32 v2, v4  }
0xe4: {  	v3 =	vmul.f32 v3, v5  }
0xe5: {  	v4 =	vmul.f32 v2, v0  }
0xe6: {  	v5 =	vmul.f32 v3, v1  }
0xe7: {  	v4 =	vmul.f32 v4, v2  }
0xe8: {  	v5 =	vmul.f32 v5, v3  }
0xe9: {  	v4 =	vsub.f32 $1.500000000e+00, v4  }
0xea: {  	v5 =	vsub.f32 $1.500000000e+00, v5  }
0xeb: {  	v2 =	vmul.f32 v4, v2  }
0xec: {  	v3 =	vmul.f32 v5, v3  }
0xed: {  	v0 =	vmul.f32 v2, v0  }
0xee: {  	v1 =	vmul.f32 v3, v1  }
0xef: {  	v0 =	vmul.f32 v0, v2  }
0xf0: {  	v1 =	vmul.f32 v1, v3  }
0xf1: {  	v0 =	vsub.f32 $1.500000000e+00, v0  }
0xf2: {  	v1 =	vsub.f32 $1.500000000e+00, v1  }
0xf3: {  	v0 =	vmul.f32 v0, v2  }
0xf4: {  	s8 =	sadd.s32 $0x1, s8;
	v1 =	vmul.f32 v1, v3  }
0xf5: {  	p0 =	sne.s32 s8, s4;
	[tilespmem:s9+$0x2800] =	vst v0  }
.Ltmp2:
0xf6: {  	[tilespmem:s12+$0x2800] =	vst v1;
	(pc) =	sbr.rel @p0 .LBB2_1-.Ltmp2, $4  }
0xf7: {  	[hbm4b:s3+s2] =	stream.linear.scatter [tilespmem:s7], [sflag:$0x1], $0x140, $0x38;
	[tilespmem:$0x2980] =	vst v63  }
0xf8: {  	_ =	swait.ge [sflag:s6], $0x140  }
0xf9: {  	[sflag:s6] =	ssyncset.done $0x0  }
0xfa: {  	[sflag:s6] =	ssyncadd.s32 $0xFFFFFEC0  }
0xfb: {  	_ =	sfence.sel $0x180000  }
0xfc: {  	[bflag:$0x0] =	sbarrier.arrive $0xFFFF  }
0xfd: {  	p0 =	sne.s32 s1, $0x0;
	_ =	strace $0x9000004A  }
0xfe: {  	s0 =	sadd.s32 @!p0 $0x100000, s0;
	[bflag:$0x2] =	sbarrier.arrive $0xFFFF  }
0xff: {  	[sflag:s0] =	ssyncadd.tile.s32 @!p0 $0x1;
	_ =	shalt  }
.Lfunc_end2:
_tile_overlayer_lowered:
.L_overlay_start_2:
0x100: {  	(tag) =	ssettag $0x2  }
0x101: {  	s0 =	rddreg [dreg:$0x0];
	s2 =	stileid.u32  }
0x102: {  	s1 =	rddreg [dreg:$0x1];
	p0 =	sne.s32 s2, $0x0  }
0x103: {  	s3 =	rddreg [dreg:$0x2];
	[bflag:$0x3] =	sbarrier.arrive $0xFFFF;
	s2 =	simm.s32 @!p0 $0x1C01  }
0x104: {  	[timem:s3], [sflag:s2] =	dma.local @!p0 [hbm:s0], s1  }
0x105: {  	s0 =	simm.s32 @!p0 $0x1  }
0x106: {  	_ =	swait.ge @!p0 [sflag:s0], s1  }
0x107: {  	s1 =	ssub.s32 @!p0 $0x0, s1;
	[sflag:s0] =	ssyncset.done @!p0 $0x0  }
0x108: {  	[sflag:s0] =	ssyncadd.s32 @!p0 s1  }
0x109: {  	[bflag:$0x3] =	sbarrier.arrive $0xFFFF  }
0x10a: {  	_ =	shalt  }

// kernel: kernel.15.cloned.1.call-start
scs
__scs_entry_jumppad:
0x0: {  	(pc) =	sbr.rel $0x88, $3  }
0x1: {  	(tag) =	ssettag $0x0;
	lr =	simm.s32 $0x1  }
0x2: {  	[smem:$0x3F9B] =	sst lr;
	_ =	strace $0xD0000000  }
0x3: {  	_ = 	snop  }
0x4: {  	_ = 	snop  }
0x5: {  	_ = 	snop  }
0x6: {  	_ = 	snop  }
0x7: {  	_ = 	snop  }
__scs_overlays_trampoline_lowered:
0x8: {  	[smem:$0x3FAA] =	sst s0  }
0x9: {  	[smem:$0x3FAB] =	sst s1  }
0xa: {  	[smem:$0x3FAC] =	sst s2  }
0xb: {  	[smem:$0x3FAD] =	sst s3  }
0xc: {  	[smem:$0x3FAE] =	sst s4  }
0xd: {  	[smem:$0x3FAF] =	sst s5  }
0xe: {  	[smem:$0x3FB0] =	sst s6  }
0xf: {  	[smem:$0x3FB1] =	sst s7  }
0x10: {  	[smem:$0x3FB2] =	sst s8  }
0x11: {  	[smem:$0x3FB3] =	sst s9;
	s0 =	simm.s32 @!p0 $0x0  }
0x12: {  	s1 =	sld [smem:$0x3F99];
	s0 =	simm.s32 @p0 $0x1  }
0x13: {  	[smem:$0x3FB4] =	sst s0;
	s0 =	simm.s32 @!p1 $0x0  }
0x14: {  	s2 =	sld [smem:$0x3F98];
	s0 =	simm.s32 @p1 $0x1  }
0x15: {  	[smem:$0x3FB5] =	sst s0;
	s0 =	simm.s32 @!p2 $0x0  }
0x16: {  	s3 =	sld [smem:$0x3FDB];
	s0 =	simm.s32 @p2 $0x1  }
0x17: {  	s4 =	simm.s32 $0x1BF5;
	[smem:$0x3FB7] =	sst s0  }
0x18: {  	s0 =	sld [smem:$0x3F9A];
	_ =	swait.ge [sflag:s4], $0x0  }
0x19: {  	s7 =	sld [smem:$0x3F9B]  }
0x1a: {  	s8 =	sadd.s32 $0xFFFFE003, lr  }
0x1b: {  	s9 =	sadd.s32 $0xFFFFFEF7, lr;
	s5 =	simm.s32 $0xFFFFFFFF;
	p2 =	slt.u32 s8, $0xFFFFF086  }
0x1c: {  	p1 =	slt.u32 s9, $0xF7A;
	s5 =	simm.s32 @!p2 $0x0  }
0x1d: {  	s5 =	simm.s32 @p1 $0x1;
	p0 =	seq.s32 s7, s2  }
0x1e: {  	s7 =	smul.u32 @!p0 $0xF7A, s2;
	p2 =	seq.s32 @!p0 s5, $0x0  }
0x1f: {  	s9 =	smul.u32 $0xF7A, s1;
	s8 =	simm.s32 @!p0 $0x1BF5;
	p2 =	por !p2, p0  }
0x20: {  	[sflag:s8] =	ssyncset.s32 @!p0 $0xFFFFF086;
	s6 =	sadd.s32 @!p0 s3, s7;
	s7 =	simm.s32 @!p0 $0x108  }
0x21: {  	s3 =	sadd.s32 s3, s9;
	s6 =	sadd.s32 @!p0 $0x88, s6;
	s7 =	simm.s32 @p2 $0x1082  }
0x22: {  	[simem:s7], [sflag:s8] =	dma.local @!p0 [hbm:s6], $0xF7A  }
0x23: {  	s9 =	sor.u32 $0xD0000000, s2;
	s6 =	simm.s32 $0x108;
	_ =	swait.ge @!p0 [sflag:s8], $0x0  }
0x24: {  	s3 =	sadd.s32 $0x88, s3;
	s6 =	simm.s32 @!p1 $0x1082;
	[sflag:s4] =	ssyncset.s32 $0xFFFFF086  }
0x25: {  	[simem:s6], [sflag:s4] =	dma.local [hbm:s3], $0xF7A  }
0x26: {  	[smem:$0x3F9B] =	sst s1;
	(tag) =	ssettag s2;
	_ =	strace s9  }
0x27: {  	s1 =	sld [smem:$0x3FAB]  }
0x28: {  	s2 =	sld [smem:$0x3FAC]  }
0x29: {  	s4 =	sld [smem:$0x3FAE]  }
0x2a: {  	p0 =	seq.s32 s5, $0x0;
	s5 =	sld [smem:$0x3FAF]  }
0x2b: {  	s6 =	sld [smem:$0x3FB0]  }
0x2c: {  	s7 =	sld [smem:$0x3FB1]  }
0x2d: {  	s3 =	simm.s32 $0x108;
	s8 =	sld [smem:$0x3FB2]  }
0x2e: {  	s3 =	simm.s32 @!p0 $0x1082;
	s9 =	sld [smem:$0x3FB3]  }
0x2f: {  	lr =	sadd.s32 s0, s3;
	s0 =	sld [smem:$0x3FAA]  }
0x30: {  	s3 =	sld [smem:$0x3FAD]  }
0x31: {  	[smem:$0x3FB6] =	sst s10  }
0x32: {  	s10 =	sld [smem:$0x3FB4];
	_ =	sdelay $0x3  }
0x33: {  	p0 =	seq.s32 s10, $0x1;
	s10 =	sld [smem:$0x3FB6];
	_ =	sdelay $0x3  }
0x34: {  	[smem:$0x3FB6] =	sst s10  }
0x35: {  	s10 =	sld [smem:$0x3FB5];
	_ =	sdelay $0x3  }
0x36: {  	p1 =	seq.s32 s10, $0x1;
	s10 =	sld [smem:$0x3FB6];
	_ =	sdelay $0x3  }
0x37: {  	[smem:$0x3FB6] =	sst s10  }
0x38: {  	s10 =	sld [smem:$0x3FB7]  }
0x39: {  	_ = 	snop;
	(pc) =	sbr.ind lr, $3  }
0x3a: {  	_ = 	snop  }
0x3b: {  	_ = 	snop  }
0x3c: {  	p2 =	seq.s32 s10, $0x1;
	s10 =	sld [smem:$0x3FB6]  }
0x3d: {  	_ =	shalt  }
0x3e: {  	_ =	shalt  }
0x3f: {  	_ =	shalt  }
0x40: {  	_ =	shalt  }
0x41: {  	_ =	shalt  }
0x42: {  	_ =	shalt  }
0x43: {  	_ =	shalt  }
0x44: {  	_ =	shalt  }
0x45: {  	_ =	shalt  }
0x46: {  	_ =	shalt  }
0x47: {  	_ =	shalt  }
0x48: {  	_ =	shalt  }
0x49: {  	_ =	shalt  }
0x4a: {  	_ =	shalt  }
0x4b: {  	_ =	shalt  }
0x4c: {  	_ =	shalt  }
0x4d: {  	_ =	shalt  }
0x4e: {  	_ =	shalt  }
0x4f: {  	_ =	shalt  }
0x50: {  	_ =	shalt  }
0x51: {  	_ =	shalt  }
0x52: {  	_ =	shalt  }
0x53: {  	_ =	shalt  }
0x54: {  	_ =	shalt  }
0x55: {  	_ =	shalt  }
0x56: {  	_ =	shalt  }
0x57: {  	_ =	shalt  }
0x58: {  	_ =	shalt  }
0x59: {  	_ =	shalt  }
0x5a: {  	_ =	shalt  }
0x5b: {  	_ =	shalt  }
0x5c: {  	_ =	shalt  }
0x5d: {  	_ =	shalt  }
0x5e: {  	_ =	shalt  }
0x5f: {  	_ =	shalt  }
0x60: {  	_ =	shalt  }
0x61: {  	_ =	shalt  }
0x62: {  	_ =	shalt  }
0x63: {  	_ =	shalt  }
0x64: {  	_ =	shalt  }
0x65: {  	_ =	shalt  }
0x66: {  	_ =	shalt  }
0x67: {  	_ =	shalt  }
0x68: {  	_ =	shalt  }
0x69: {  	_ =	shalt  }
0x6a: {  	_ =	shalt  }
0x6b: {  	_ =	shalt  }
0x6c: {  	_ =	shalt  }
0x6d: {  	_ =	shalt  }
0x6e: {  	_ =	shalt  }
0x6f: {  	_ =	shalt  }
0x70: {  	_ =	shalt  }
0x71: {  	_ =	shalt  }
0x72: {  	_ =	shalt  }
0x73: {  	_ =	shalt  }
0x74: {  	_ =	shalt  }
0x75: {  	_ =	shalt  }
0x76: {  	_ =	shalt  }
0x77: {  	_ =	shalt  }
0x78: {  	_ =	shalt  }
0x79: {  	_ =	shalt  }
0x7a: {  	_ =	shalt  }
0x7b: {  	_ =	shalt  }
0x7c: {  	_ =	shalt  }
0x7d: {  	_ =	shalt  }
0x7e: {  	_ =	shalt  }
0x7f: {  	_ =	shalt  }
0x80: {  	_ =	shalt  }
0x81: {  	_ =	shalt  }
0x82: {  	_ =	shalt  }
0x83: {  	_ =	shalt  }
0x84: {  	_ =	shalt  }
0x85: {  	_ =	shalt  }
0x86: {  	_ =	shalt  }
0x87: {  	_ =	shalt  }
.Lfunc_end0:
.L_simem_size_0:
called_computation.2_lowered:
.L_overlay_start_0:
0x88: {  	s2 =	sld [smem:$0x3FD9]  }
0x89: {  	s3 =	sld [smem:$0x3FFE];
	_ =	sdelay $0x1  }
0x8a: {  	s1 =	srdreg.scid  }
0x8b: {  	s0 =	sand.u32 $0x1, s1  }
0x8c: {  	s14 =	sshll.u32 s0, $0xA;
	s2 =	sadd.s32 s3, s2  }
0x8d: {  	s2 =	sadd.s32 s2, s14  }
0x8e: {  	[smem:$0x3FC2] =	sst s2  }
0x8f: {  	_ = 	snop  }
0x90: {  	s2 =	sld [smem:$0x3FD0];
	_ =	sdelay $0x2  }
0x91: {  	s15 =	simm.s32 $0xA;
	s4 =	simm.s32 $0x10  }
0x92: {  	[smem:s4], [sflag:s15] =	dma.local [hbm:s2], $0x1  }
0x93: {  	_ =	swait.eq [sflag:s15], $0x1  }
0x94: {  	[sflag:s15] =	ssyncset.done $0x0  }
0x95: {  	s16 =	sld [smem:$0x10];
	[sflag:s15] =	ssyncadd.s32 $0xFFFFFFFF  }
0x96: {  	s17 =	sld [smem:$0x11];
	(tm) =	ssettm $0x1  }
0x97: {  	s18 =	sld [smem:$0x3FFB];
	_ =	sdelay $0x3  }
0x98: {  	_ =	strace s18  }
0x99: {  	s4 =	sld [smem:$0x3FFC];
	_ =	sdelay $0x3  }
0x9a: {  	_ =	strace s4  }
0x9b: {  	s4 =	sld [smem:$0x3FFD];
	_ =	sdelay $0x3  }
0x9c: {  	_ =	strace s4  }
0x9d: {  	_ =	strace $0x8FFFFFFF  }
0x9e: {  	s19 =	sld [smem:$0x3FDB];
	_ =	sdelay $0x1  }
0x9f: {  	s5 =	simm.s32 $_scs_section_size  }
0xa0: {  	s6 =	simm.s32 $_size__tile_overlayer_lowered;
	s7 =	simm.s32 $_tile_overlayer_lowered  }
0xa1: {  	s22 =	simm.s32 $0x1BFF;
	s21 =	sshll.u32 s7, $0x1;
	s4 =	sadd.s32 s5, s19  }
0xa2: {  	s8 =	simm.s32 $0x0;
	s20 =	sshll.u32 s6, $0x1;
	s6 =	sadd.s32 s21, s4  }
0xa3: {  	[timem:s8], [sflag:s22] =	dma.local [hbm:s6], s20  }
0xa4: {  	_ =	swait.ge [sflag:s22], s20  }
0xa5: {  	s5 =	ssub.s32 $0x0, s20;
	[sflag:s22] =	ssyncset.done $0x0  }
0xa6: {  	[sflag:s22] =	ssyncadd.s32 s5;
	_ =	sdelay $0x1  }
0xa7: {  	s23 =	simm.s32 $0x1B8B  }
0xa8: {  	_ =	swait.ge [sflag:s23], $0x1  }
0xa9: {  	[sflag:s23] =	ssyncset.done $0x0  }
0xaa: {  	s25 =	simm.s32 $0x1B8E;
	s24 =	sld [smem:$0x3FFE];
	[sflag:s23] =	ssyncadd.s32 $0xFFFFFFFF  }
0xab: {  	s26 =	simm.s32 $execute0_lowered;
	[smem:$0x3FD2] =	sst s25  }
0xac: {  	s6 =	sshll.u32 s26, $0x1;
	_ =	strace $0x8000004C;
	[dreg:$0x1] =	wrdreg $0xFFFFFFFF  }
0xad: {  	s28 =	simm.s32 $_size_execute0_lowered;
	s4 =	sadd.s32 s4, s6;
	[dreg:$0x0] =	wrdreg $0x0  }
0xae: {  	s6 =	sshll.u32 s28, $0x1;
	[dreg:$0x2] =	wrdreg s4  }
0xaf: {  	[dreg:$0x3] =	wrdreg s6  }
0xb0: {  	[dreg:$0x4] =	wrdreg $0xC0  }
0xb1: {  	_ =	task [dreg:s8], $0x5FFFF  }
0xb2: {  	[dreg:$0x1] =	wrdreg $0xFFFFFFFF  }
0xb3: {  	[dreg:$0x0] =	wrdreg $0x60  }
0xb4: {  	[dreg:$0x2] =	wrdreg s24  }
0xb5: {  	[dreg:$0x3] =	wrdreg s17  }
0xb6: {  	[dreg:$0x4] =	wrdreg s16  }
0xb7: {  	[dreg:$0x5] =	wrdreg $0xA9000  }
0xb8: {  	[dreg:$0x6] =	wrdreg $0x9  }
0xb9: {  	_ =	task.clear_ibuf [dreg:s8], $0x7FFFF;
	_ =	strace $0x9000004C  }
0xba: {  	s29 =	simm.s32 $0x9;
	_ =	strace $0x8000004E  }
0xbb: {  	_ =	swait.ge [sflag:s29], $0x1  }
0xbc: {  	[sflag:s29] =	ssyncadd.s32 $0xFFFFFFFF  }
0xbd: {  	_ =	strace $0x9000004E  }
0xbe: {  	_ =	sfence  }
0xbf: {  	s30 =	sld [smem:$0x0];
	_ =	sdelay $0x2  }
0xc0: {  	s31 =	sshll.u32 s1, $0xD;
	s1 =	sshrl.u32 s1, $0x2  }
0xc1: {  	s3 =	sand.u32 $0x4000, s31;
	s1 =	sadd.s32 s1, s30  }
0xc2: {  	s0 =	sor.u32 s3, s0;
	s1 =	sshll.u32 s1, $0x11  }
0xc3: {  	s0 =	sor.u32 s1, s0  }
0xc4: {  	s0 =	sadd.s32 $0x8F2B, s0  }
0xc5: {  	[sflag:s0] =	ssyncadd.remote.s32 $0x1  }
0xc6: {  	_ =	sfence.sel $0xFFFF  }
0xc7: {  	[dreg:$0x0] =	wrdreg $0xFFFFFFFF;
	(pc) =	sbr.abs _section_cstart, $3  }
0xc8: {  	[dreg:$0x1] =	wrdreg $0xFFFFFFFF  }
0xc9: {  	_ =	task.clear_ibuf [dreg:s8], $0x2FFFF;
	_ =	strace $0x9FFFFFFF  }
0xca: {  	(tm) =	ssettm $0x7FFFFFFF  }
0xcb: {  	_ =	shalt  }
tec
execute0_lowered:
.L_overlay_start_1:
0x0: {  	(tag) =	ssettag $0x1  }
0x1: {  	s6 =	rddreg [dreg:$0x0]  }
0x2: {  	s7 =	rddreg [dreg:$0x1]  }
0x3: {  	s1 =	rddreg [dreg:$0x2]  }
0x4: {  	s3 =	rddreg [dreg:$0x3]  }
0x5: {  	s0 =	rddreg [dreg:$0x4]  }
0x6: {  	s4 =	simm.s32 $0x0;
	s2 =	stileid.u32;
	s9 =	srdreg.scid  }
0x7: {  	s16 =	simm.s32 $0x2900;
	s17 =	simm.s32 $0x2800;
	s18 =	simm.s32 $0x6900  }
0x8: {  	s19 =	simm.s32 $0x2880;
	s20 =	simm.s32 $0x1;
	s21 =	simm.s32 $0x3  }
0x9: {  	s22 =	simm.s32 $0x2;
	s23 =	simm.s32 $0x4;
	s8 =	smul.u32 $0x500, s2  }
0xa: {  	s24 =	simm.s32 $0x0;
	[smem:$0x7FF] =	sst s4;
	s10 =	smul.u32 $0x2800, s2  }
0xb: {  	s5 =	sadd.s32 $0x6E00, s6;
	s9 =	sand.u32 $0x1, s9;
	s13 =	smul.u32 $0x50000, s2  }
0xc: {  	s31 =	sshll.u32 s2, $0x6;
	_ =	strace $0x8000004D;
	s28 =	smul.u32 $0x28000, s9  }
0xd: {  	s12 =	sshll.u32 s9, $0x4;
	s9 =	ssub.s32 $0x2, s9;
	s11 =	sadd.s32 s8, s6  }
0xe: {  	s12 =	sor.u32 s2, s12;
	s29 =	sshrl.u32 s9, $0x1;
	s30 =	sshrl.u32 s13, $0x2  }
0xf: {  	s13 =	sor.u32 $0x1C05, s31;
	s8 =	sadd.s32 s10, s28;
	s12 =	smul.u32 $0x500, s12  }
0x10: {  	s10 =	ssub.s32 s9, s29;
	s15 =	sadd.s32 s30, s3;
	s14 =	sadd.s32 s8, s6  }
0x11: {  	s8 =	sadd.s32 $0x1E10, s11;
	s10 =	smax.u32 s10, $0x1;
	s6 =	sadd.s32 s7, s12  }
0x12: {  	s7 =	sadd.s32 $0x1E00, s11;
	s9 =	sadd.s32 $0x56E00, s14;
	s11 =	sadd.s32 $0x1E30, s11  }
0x13: {  	s12 =	simm.s32 $0x5;
	s14 =	sshrl.u32 s15, $0x3;
	s15 =	simm.s32 $0x80  }
.LBB2_1:
0x14: {  	[tilespmem:s4], [sflag:$0x5] =	stream.linear.gather [hbm4b:s6+s4], $0x2800, $0x38;
	[tilespmem:$0x1E900] =	vst v63  }
0x15: {  	_ =	swait.ge [sflag:s12], $0x2800  }
0x16: {  	[sflag:s12] =	ssyncset.done $0x0  }
0x17: {  	[sflag:s12] =	ssyncadd.s32 $0xFFFFD800  }
0x18: {  	[spmem:s14], [sflag:s13] =	dma.local [hbm:s1], $0x2800  }
0x19: {  	_ =	swait.ge [sflag:s12], $0x2800  }
0x1a: {  	[sflag:s12] =	ssyncset.done $0x0  }
0x1b: {  	[sflag:s12] =	ssyncadd.s32 $0xFFFFD800  }
0x1c: {  	[bflag:$0x0] =	sbarrier.arrive $0xFFFF  }
0x1d: {  	[tilespmem:s16], [sflag:$0x1] =	stream.indirect.gather [hbm4b:s5+s15], $0x80, s4, s15, $0xb8;
	[tilespmem:$0x1E900] =	vst v63  }
0x1e: {  	_ = 	snop  }
0x1f: {  	[tilespmem:s17], [sflag:$0x3] =	stream.linear.gather [hbm4b:s7+s4], $0x80, $0x38;
	[tilespmem:$0x1E900] =	vst v63  }
0x20: {  	_ = 	snop  }
0x21: {  	[tilespmem:s18], [sflag:$0x2] =	stream.indirect.gather [hbm4b:s5+s15], $0x80, s15, s15, $0xb8;
	[tilespmem:$0x1E900] =	vst v63  }
0x22: {  	_ = 	snop  }
0x23: {  	[tilespmem:s19], [sflag:$0x4] =	stream.linear.gather [hbm4b:s8+s4], $0x80, $0x38;
	[tilespmem:$0x1E900] =	vst v63  }
0x24: {  	_ =	swait.ge [sflag:s20], $0x4000  }
0x25: {  	[sflag:s20] =	ssyncset.done $0x0  }
0x26: {  	[sflag:s20] =	ssyncadd.s32 $0xFFFFC000  }
0x27: {  	_ =	swait.ge [sflag:s21], $0x80  }
0x28: {  	[sflag:s21] =	ssyncset.done $0x0  }
0x29: {  	[sflag:s21] =	ssyncadd.s32 $0xFFFFFF80  }
0x2a: {  	[spmem:s3] =	stream.indirect.scatter.add.f32 [tilespmem:s16], [sflag:$0x5], $0x80, s17, s15, $0xb8;
	[tilespmem:$0x1E900] =	vst v63  }
0x2b: {  	_ =	swait.ge [sflag:s12], $0x4000  }
0x2c: {  	[sflag:s12] =	ssyncset.done $0x0  }
0x2d: {  	s25 =	simm.s32 $0x100;
	[sflag:s12] =	ssyncadd.s32 $0xFFFFC000  }
0x2e: {  	[tilespmem:s16], [sflag:$0x1] =	stream.indirect.gather [hbm4b:s5+s15], $0x80, s25, s15, $0xb8;
	[tilespmem:$0x1E900] =	vst v63  }
0x2f: {  	s30 =	sadd.s32 $0xFFFFFFF0, s11  }
0x30: {  	[tilespmem:s17], [sflag:$0x3] =	stream.linear.gather [hbm4b:s30+s4], $0x80, $0x38;
	[tilespmem:$0x1E900] =	vst v63  }
0x31: {  	_ =	swait.ge [sflag:s22], $0x4000  }
0x32: {  	[sflag:s22] =	ssyncset.done $0x0  }
0x33: {  	[sflag:s22] =	ssyncadd.s32 $0xFFFFC000  }
0x34: {  	_ =	swait.ge [sflag:s23], $0x80  }
0x35: {  	[sflag:s23] =	ssyncset.done $0x0  }
0x36: {  	[sflag:s23] =	ssyncadd.s32 $0xFFFFFF80  }
0x37: {  	[spmem:s3] =	stream.indirect.scatter.add.f32 [tilespmem:s18], [sflag:$0x5], $0x80, s19, s15, $0xb8;
	[tilespmem:$0x1E900] =	vst v63  }
0x38: {  	_ =	swait.ge [sflag:s12], $0x4000  }
0x39: {  	s31 =	simm.s32 $0x180;
	s26 =	sadd.s32 $0x20, s11;
	[sflag:s12] =	ssyncset.done $0x0  }
0x3a: {  	s28 =	smov.u32 s11;
	s25 =	simm.s32 $0xFFFF6800;
	[sflag:s12] =	ssyncadd.s32 $0xFFFFC000  }
0x3b: {  	[tilespmem:s18], [sflag:$0x2] =	stream.indirect.gather [hbm4b:s5+s15], $0x80, s31, s15, $0xb8;
	[tilespmem:$0x1E900] =	vst v63  }
.LBB2_2:
0x3c: {  	[tilespmem:s19], [sflag:$0x4] =	stream.linear.gather [hbm4b:s28+s4], $0x80, $0x38;
	[tilespmem:$0x1E900] =	vst v63  }
0x3d: {  	s29 =	smov.u32 s25;
	s28 =	smov.u32 s26  }
0x3e: {  	p0 =	sne.s32 s25, $0xFFFFFC00;
	s25 =	sadd.s32 $0x400, s25;
	_ =	swait.ge [sflag:s20], $0x4000  }
0x3f: {  	[sflag:s20] =	ssyncset.done $0x0  }
0x40: {  	[sflag:s20] =	ssyncadd.s32 $0xFFFFC000  }
0x41: {  	_ =	swait.ge [sflag:s21], $0x80  }
0x42: {  	[sflag:s21] =	ssyncset.done $0x0  }
0x43: {  	[sflag:s21] =	ssyncadd.s32 $0xFFFFFF80  }
0x44: {  	[spmem:s3] =	stream.indirect.scatter.add.f32 [tilespmem:s16], [sflag:$0x5], $0x80, s17, s15, $0xb8;
	[tilespmem:$0x1E900] =	vst v63  }
0x45: {  	_ =	swait.ge [sflag:s12], $0x4000  }
0x46: {  	s29 =	sshra.s32 s29, $0x2;
	[sflag:s12] =	ssyncset.done $0x0  }
0x47: {  	s30 =	sadd.s32 $0x2800, s29;
	[sflag:s12] =	ssyncadd.s32 $0xFFFFC000  }
0x48: {  	[tilespmem:s16], [sflag:$0x1] =	stream.indirect.gather [hbm4b:s5+s15], $0x80, s30, s15, $0xb8;
	[tilespmem:$0x1E900] =	vst v63  }
0x49: {  	s30 =	sadd.s32 $0xFFFFFFF0, s26  }
0x4a: {  	[tilespmem:s17], [sflag:$0x3] =	stream.linear.gather [hbm4b:s30+s4], $0x80, $0x38;
	[tilespmem:$0x1E900] =	vst v63  }
0x4b: {  	_ =	swait.ge [sflag:s22], $0x4000  }
0x4c: {  	[sflag:s22] =	ssyncset.done $0x0  }
0x4d: {  	[sflag:s22] =	ssyncadd.s32 $0xFFFFC000  }
0x4e: {  	_ =	swait.ge [sflag:s23], $0x80  }
0x4f: {  	[sflag:s23] =	ssyncset.done $0x0  }
0x50: {  	[sflag:s23] =	ssyncadd.s32 $0xFFFFFF80  }
0x51: {  	[spmem:s3] =	stream.indirect.scatter.add.f32 [tilespmem:s18], [sflag:$0x5], $0x80, s19, s15, $0xb8;
	[tilespmem:$0x1E900] =	vst v63  }
.Ltmp0:
0x52: {  	_ =	swait.ge [sflag:s12], $0x4000;
	(pc) =	sbr.rel @p0 .LBB2_2-.Ltmp0, $4  }
0x53: {  	[sflag:s12] =	ssyncset.done $0x0  }
0x54: {  	s29 =	sadd.s32 $0x2880, s29;
	[sflag:s12] =	ssyncadd.s32 $0xFFFFC000  }
0x55: {  	[tilespmem:s18], [sflag:$0x2] =	stream.indirect.gather [hbm4b:s5+s15], $0x80, s29, s15, $0xb8;
	[tilespmem:$0x1E900] =	vst v63  }
0x56: {  	s26 =	sadd.s32 $0x20, s26  }
0x57: {  	[tilespmem:s19], [sflag:$0x4] =	stream.linear.gather [hbm4b:s28+s4], $0x80, $0x38;
	[tilespmem:$0x1E900] =	vst v63  }
0x58: {  	_ =	swait.ge [sflag:s20], $0x4000  }
0x59: {  	[sflag:s20] =	ssyncset.done $0x0  }
0x5a: {  	[sflag:s20] =	ssyncadd.s32 $0xFFFFC000  }
0x5b: {  	_ =	swait.ge [sflag:s21], $0x80  }
0x5c: {  	[sflag:s21] =	ssyncset.done $0x0  }
0x5d: {  	[sflag:s21] =	ssyncadd.s32 $0xFFFFFF80  }
0x5e: {  	[spmem:s3] =	stream.indirect.scatter.add.f32 [tilespmem:s16], [sflag:$0x5], $0x80, s17, s15, $0xb8;
	[tilespmem:$0x1E900] =	vst v63  }
0x5f: {  	_ =	swait.ge [sflag:s12], $0x4000  }
0x60: {  	[sflag:s12] =	ssyncset.done $0x0  }
0x61: {  	[sflag:s12] =	ssyncadd.s32 $0xFFFFC000  }
0x62: {  	_ =	swait.ge [sflag:s22], $0x4000  }
0x63: {  	[sflag:s22] =	ssyncset.done $0x0  }
0x64: {  	[sflag:s22] =	ssyncadd.s32 $0xFFFFC000  }
0x65: {  	_ =	swait.ge [sflag:s23], $0x80  }
0x66: {  	[sflag:s23] =	ssyncset.done $0x0  }
0x67: {  	[sflag:s23] =	ssyncadd.s32 $0xFFFFFF80  }
0x68: {  	[spmem:s3] =	stream.indirect.scatter.add.f32 [tilespmem:s18], [sflag:$0x5], $0x80, s19, s15, $0xb8;
	[tilespmem:$0x1E900] =	vst v63  }
0x69: {  	_ =	swait.ge [sflag:s12], $0x4000  }
0x6a: {  	s24 =	sadd.s32 $0x1, s24;
	[sflag:s12] =	ssyncset.done $0x0  }
0x6b: {  	p0 =	sne.s32 s24, s10;
	[sflag:s12] =	ssyncadd.s32 $0xFFFFC000  }
.Ltmp1:
0x6c: {  	[bflag:$0x0] =	sbarrier.arrive $0xFFFF;
	(pc) =	sbr.rel @p0 .LBB2_1-.Ltmp1, $4  }
0x6d: {  	[hbm:s9], [sflag:s13] =	dma.local [spmem:s14], $0x2800  }
0x6e: {  	_ =	swait.ge [sflag:s12], $0x2800  }
0x6f: {  	[sflag:s12] =	ssyncset.done $0x0  }
0x70: {  	[sflag:s12] =	ssyncadd.s32 $0xFFFFD800  }
0x71: {  	_ =	sfence.sel $0x180000  }
0x72: {  	[bflag:$0x0] =	sbarrier.arrive $0xFFFF  }
0x73: {  	p0 =	sne.s32 s2, $0x0;
	_ =	strace $0x9000004D  }
0x74: {  	s0 =	sadd.s32 @!p0 $0x100000, s0;
	[bflag:$0x2] =	sbarrier.arrive $0xFFFF  }
0x75: {  	[sflag:s0] =	ssyncadd.tile.s32 @!p0 $0x1;
	_ =	shalt  }
.Lfunc_end2:
_tile_overlayer_lowered:
.L_overlay_start_2:
0x76: {  	(tag) =	ssettag $0x2  }
0x77: {  	s0 =	rddreg [dreg:$0x0];
	s2 =	stileid.u32  }
0x78: {  	s1 =	rddreg [dreg:$0x1];
	p0 =	sne.s32 s2, $0x0  }
0x79: {  	s3 =	rddreg [dreg:$0x2];
	[bflag:$0x3] =	sbarrier.arrive $0xFFFF;
	s2 =	simm.s32 @!p0 $0x1C05  }
0x7a: {  	[timem:s3], [sflag:s2] =	dma.local @!p0 [hbm:s0], s1  }
0x7b: {  	s0 =	simm.s32 @!p0 $0x5  }
0x7c: {  	_ =	swait.ge @!p0 [sflag:s0], s1  }
0x7d: {  	s1 =	ssub.s32 @!p0 $0x0, s1;
	[sflag:s0] =	ssyncset.done @!p0 $0x0  }
0x7e: {  	[sflag:s0] =	ssyncadd.s32 @!p0 s1  }
0x7f: {  	[bflag:$0x3] =	sbarrier.arrive $0xFFFF  }
0x80: {  	_ =	shalt  }

// kernel: kernel.18.cloned.1.call-start
scs
__scs_entry_jumppad:
0x0: {  	(pc) =	sbr.rel $0x88, $3  }
0x1: {  	(tag) =	ssettag $0x0;
	lr =	simm.s32 $0x1  }
0x2: {  	[smem:$0x3F9B] =	sst lr;
	_ =	strace $0xD0000000  }
0x3: {  	_ = 	snop  }
0x4: {  	_ = 	snop  }
0x5: {  	_ = 	snop  }
0x6: {  	_ = 	snop  }
0x7: {  	_ = 	snop  }
__scs_overlays_trampoline_lowered:
0x8: {  	[smem:$0x3FAA] =	sst s0  }
0x9: {  	[smem:$0x3FAB] =	sst s1  }
0xa: {  	[smem:$0x3FAC] =	sst s2  }
0xb: {  	[smem:$0x3FAD] =	sst s3  }
0xc: {  	[smem:$0x3FAE] =	sst s4  }
0xd: {  	[smem:$0x3FAF] =	sst s5  }
0xe: {  	[smem:$0x3FB0] =	sst s6  }
0xf: {  	[smem:$0x3FB1] =	sst s7  }
0x10: {  	[smem:$0x3FB2] =	sst s8  }
0x11: {  	[smem:$0x3FB3] =	sst s9;
	s0 =	simm.s32 @!p0 $0x0  }
0x12: {  	s1 =	sld [smem:$0x3F99];
	s0 =	simm.s32 @p0 $0x1  }
0x13: {  	[smem:$0x3FB4] =	sst s0;
	s0 =	simm.s32 @!p1 $0x0  }
0x14: {  	s2 =	sld [smem:$0x3F98];
	s0 =	simm.s32 @p1 $0x1  }
0x15: {  	[smem:$0x3FB5] =	sst s0;
	s0 =	simm.s32 @!p2 $0x0  }
0x16: {  	s3 =	sld [smem:$0x3FDB];
	s0 =	simm.s32 @p2 $0x1  }
0x17: {  	s4 =	simm.s32 $0x1BF5;
	[smem:$0x3FB7] =	sst s0  }
0x18: {  	s0 =	sld [smem:$0x3F9A];
	_ =	swait.ge [sflag:s4], $0x0  }
0x19: {  	s7 =	sld [smem:$0x3F9B]  }
0x1a: {  	s8 =	sadd.s32 $0xFFFFE003, lr  }
0x1b: {  	s9 =	sadd.s32 $0xFFFFFEF7, lr;
	s5 =	simm.s32 $0xFFFFFFFF;
	p2 =	slt.u32 s8, $0xFFFFF086  }
0x1c: {  	p1 =	slt.u32 s9, $0xF7A;
	s5 =	simm.s32 @!p2 $0x0  }
0x1d: {  	s5 =	simm.s32 @p1 $0x1;
	p0 =	seq.s32 s7, s2  }
0x1e: {  	s7 =	smul.u32 @!p0 $0xF7A, s2;
	p2 =	seq.s32 @!p0 s5, $0x0  }
0x1f: {  	s9 =	smul.u32 $0xF7A, s1;
	s8 =	simm.s32 @!p0 $0x1BF5;
	p2 =	por !p2, p0  }
0x20: {  	[sflag:s8] =	ssyncset.s32 @!p0 $0xFFFFF086;
	s6 =	sadd.s32 @!p0 s3, s7;
	s7 =	simm.s32 @!p0 $0x108  }
0x21: {  	s3 =	sadd.s32 s3, s9;
	s6 =	sadd.s32 @!p0 $0x88, s6;
	s7 =	simm.s32 @p2 $0x1082  }
0x22: {  	[simem:s7], [sflag:s8] =	dma.local @!p0 [hbm:s6], $0xF7A  }
0x23: {  	s9 =	sor.u32 $0xD0000000, s2;
	s6 =	simm.s32 $0x108;
	_ =	swait.ge @!p0 [sflag:s8], $0x0  }
0x24: {  	s3 =	sadd.s32 $0x88, s3;
	s6 =	simm.s32 @!p1 $0x1082;
	[sflag:s4] =	ssyncset.s32 $0xFFFFF086  }
0x25: {  	[simem:s6], [sflag:s4] =	dma.local [hbm:s3], $0xF7A  }
0x26: {  	[smem:$0x3F9B] =	sst s1;
	(tag) =	ssettag s2;
	_ =	strace s9  }
0x27: {  	s1 =	sld [smem:$0x3FAB]  }
0x28: {  	s2 =	sld [smem:$0x3FAC]  }
0x29: {  	s4 =	sld [smem:$0x3FAE]  }
0x2a: {  	p0 =	seq.s32 s5, $0x0;
	s5 =	sld [smem:$0x3FAF]  }
0x2b: {  	s6 =	sld [smem:$0x3FB0]  }
0x2c: {  	s7 =	sld [smem:$0x3FB1]  }
0x2d: {  	s3 =	simm.s32 $0x108;
	s8 =	sld [smem:$0x3FB2]  }
0x2e: {  	s3 =	simm.s32 @!p0 $0x1082;
	s9 =	sld [smem:$0x3FB3]  }
0x2f: {  	lr =	sadd.s32 s0, s3;
	s0 =	sld [smem:$0x3FAA]  }
0x30: {  	s3 =	sld [smem:$0x3FAD]  }
0x31: {  	[smem:$0x3FB6] =	sst s10  }
0x32: {  	s10 =	sld [smem:$0x3FB4];
	_ =	sdelay $0x3  }
0x33: {  	p0 =	seq.s32 s10, $0x1;
	s10 =	sld [smem:$0x3FB6];
	_ =	sdelay $0x3  }
0x34: {  	[smem:$0x3FB6] =	sst s10  }
0x35: {  	s10 =	sld [smem:$0x3FB5];
	_ =	sdelay $0x3  }
0x36: {  	p1 =	seq.s32 s10, $0x1;
	s10 =	sld [smem:$0x3FB6];
	_ =	sdelay $0x3  }
0x37: {  	[smem:$0x3FB6] =	sst s10  }
0x38: {  	s10 =	sld [smem:$0x3FB7]  }
0x39: {  	_ = 	snop;
	(pc) =	sbr.ind lr, $3  }
0x3a: {  	_ = 	snop  }
0x3b: {  	_ = 	snop  }
0x3c: {  	p2 =	seq.s32 s10, $0x1;
	s10 =	sld [smem:$0x3FB6]  }
0x3d: {  	_ =	shalt  }
0x3e: {  	_ =	shalt  }
0x3f: {  	_ =	shalt  }
0x40: {  	_ =	shalt  }
0x41: {  	_ =	shalt  }
0x42: {  	_ =	shalt  }
0x43: {  	_ =	shalt  }
0x44: {  	_ =	shalt  }
0x45: {  	_ =	shalt  }
0x46: {  	_ =	shalt  }
0x47: {  	_ =	shalt  }
0x48: {  	_ =	shalt  }
0x49: {  	_ =	shalt  }
0x4a: {  	_ =	shalt  }
0x4b: {  	_ =	shalt  }
0x4c: {  	_ =	shalt  }
0x4d: {  	_ =	shalt  }
0x4e: {  	_ =	shalt  }
0x4f: {  	_ =	shalt  }
0x50: {  	_ =	shalt  }
0x51: {  	_ =	shalt  }
0x52: {  	_ =	shalt  }
0x53: {  	_ =	shalt  }
0x54: {  	_ =	shalt  }
0x55: {  	_ =	shalt  }
0x56: {  	_ =	shalt  }
0x57: {  	_ =	shalt  }
0x58: {  	_ =	shalt  }
0x59: {  	_ =	shalt  }
0x5a: {  	_ =	shalt  }
0x5b: {  	_ =	shalt  }
0x5c: {  	_ =	shalt  }
0x5d: {  	_ =	shalt  }
0x5e: {  	_ =	shalt  }
0x5f: {  	_ =	shalt  }
0x60: {  	_ =	shalt  }
0x61: {  	_ =	shalt  }
0x62: {  	_ =	shalt  }
0x63: {  	_ =	shalt  }
0x64: {  	_ =	shalt  }
0x65: {  	_ =	shalt  }
0x66: {  	_ =	shalt  }
0x67: {  	_ =	shalt  }
0x68: {  	_ =	shalt  }
0x69: {  	_ =	shalt  }
0x6a: {  	_ =	shalt  }
0x6b: {  	_ =	shalt  }
0x6c: {  	_ =	shalt  }
0x6d: {  	_ =	shalt  }
0x6e: {  	_ =	shalt  }
0x6f: {  	_ =	shalt  }
0x70: {  	_ =	shalt  }
0x71: {  	_ =	shalt  }
0x72: {  	_ =	shalt  }
0x73: {  	_ =	shalt  }
0x74: {  	_ =	shalt  }
0x75: {  	_ =	shalt  }
0x76: {  	_ =	shalt  }
0x77: {  	_ =	shalt  }
0x78: {  	_ =	shalt  }
0x79: {  	_ =	shalt  }
0x7a: {  	_ =	shalt  }
0x7b: {  	_ =	shalt  }
0x7c: {  	_ =	shalt  }
0x7d: {  	_ =	shalt  }
0x7e: {  	_ =	shalt  }
0x7f: {  	_ =	shalt  }
0x80: {  	_ =	shalt  }
0x81: {  	_ =	shalt  }
0x82: {  	_ =	shalt  }
0x83: {  	_ =	shalt  }
0x84: {  	_ =	shalt  }
0x85: {  	_ =	shalt  }
0x86: {  	_ =	shalt  }
0x87: {  	_ =	shalt  }
.Lfunc_end0:
.L_simem_size_0:
called_computation.3_lowered:
.L_overlay_start_0:
0x88: {  	s2 =	sld [smem:$0x3FD9]  }
0x89: {  	s3 =	sld [smem:$0x3FFE];
	_ =	sdelay $0x1  }
0x8a: {  	s1 =	srdreg.scid  }
0x8b: {  	s0 =	sand.u32 $0x1, s1  }
0x8c: {  	s14 =	sshll.u32 s0, $0xA;
	s2 =	sadd.s32 s3, s2  }
0x8d: {  	s2 =	sadd.s32 s2, s14  }
0x8e: {  	[smem:$0x3FC2] =	sst s2  }
0x8f: {  	_ = 	snop  }
0x90: {  	s2 =	sld [smem:$0x3FD0];
	_ =	sdelay $0x2  }
0x91: {  	s15 =	simm.s32 $0xA;
	s4 =	simm.s32 $0x10  }
0x92: {  	[smem:s4], [sflag:s15] =	dma.local [hbm:s2], $0x1  }
0x93: {  	_ =	swait.eq [sflag:s15], $0x1  }
0x94: {  	[sflag:s15] =	ssyncset.done $0x0  }
0x95: {  	s16 =	sld [smem:$0x10];
	[sflag:s15] =	ssyncadd.s32 $0xFFFFFFFF  }
0x96: {  	s17 =	sld [smem:$0x11];
	(tm) =	ssettm $0x1  }
0x97: {  	s18 =	sld [smem:$0x3FFB];
	_ =	sdelay $0x3  }
0x98: {  	_ =	strace s18  }
0x99: {  	s4 =	sld [smem:$0x3FFC];
	_ =	sdelay $0x3  }
0x9a: {  	_ =	strace s4  }
0x9b: {  	s4 =	sld [smem:$0x3FFD];
	_ =	sdelay $0x3  }
0x9c: {  	_ =	strace s4  }
0x9d: {  	_ =	strace $0x8FFFFFFF  }
0x9e: {  	s19 =	sld [smem:$0x3FDB];
	_ =	sdelay $0x1  }
0x9f: {  	s5 =	simm.s32 $_scs_section_size  }
0xa0: {  	s6 =	simm.s32 $_size__tile_overlayer_lowered;
	s7 =	simm.s32 $_tile_overlayer_lowered  }
0xa1: {  	s22 =	simm.s32 $0x1BFF;
	s21 =	sshll.u32 s7, $0x1;
	s4 =	sadd.s32 s5, s19  }
0xa2: {  	s8 =	simm.s32 $0x0;
	s20 =	sshll.u32 s6, $0x1;
	s6 =	sadd.s32 s21, s4  }
0xa3: {  	[timem:s8], [sflag:s22] =	dma.local [hbm:s6], s20  }
0xa4: {  	_ =	swait.ge [sflag:s22], s20  }
0xa5: {  	s5 =	ssub.s32 $0x0, s20;
	[sflag:s22] =	ssyncset.done $0x0  }
0xa6: {  	[sflag:s22] =	ssyncadd.s32 s5;
	_ =	sdelay $0x1  }
0xa7: {  	s23 =	simm.s32 $0x1B8B  }
0xa8: {  	_ =	swait.ge [sflag:s23], $0x1  }
0xa9: {  	[sflag:s23] =	ssyncset.done $0x0  }
0xaa: {  	s25 =	simm.s32 $0x1B8E;
	s24 =	sld [smem:$0x3FFE];
	[sflag:s23] =	ssyncadd.s32 $0xFFFFFFFF  }
0xab: {  	s26 =	simm.s32 $execute0_lowered;
	[smem:$0x3FD2] =	sst s25  }
0xac: {  	s6 =	sshll.u32 s26, $0x1;
	_ =	strace $0x8000004F;
	[dreg:$0x1] =	wrdreg $0xFFFFFFFF  }
0xad: {  	s28 =	simm.s32 $_size_execute0_lowered;
	s4 =	sadd.s32 s4, s6;
	[dreg:$0x0] =	wrdreg $0x0  }
0xae: {  	s6 =	sshll.u32 s28, $0x1;
	[dreg:$0x2] =	wrdreg s4  }
0xaf: {  	[dreg:$0x3] =	wrdreg s6  }
0xb0: {  	[dreg:$0x4] =	wrdreg $0xC0  }
0xb1: {  	_ =	task [dreg:s8], $0x5FFFF  }
0xb2: {  	[dreg:$0x1] =	wrdreg $0xFFFFFFFF  }
0xb3: {  	[dreg:$0x0] =	wrdreg $0x60  }
0xb4: {  	[dreg:$0x2] =	wrdreg s24  }
0xb5: {  	[dreg:$0x3] =	wrdreg s17  }
0xb6: {  	[dreg:$0x4] =	wrdreg s16  }
0xb7: {  	[dreg:$0x5] =	wrdreg $0xA9000  }
0xb8: {  	[dreg:$0x6] =	wrdreg $0x9  }
0xb9: {  	_ =	task.clear_ibuf [dreg:s8], $0x7FFFF;
	_ =	strace $0x9000004F  }
0xba: {  	s29 =	simm.s32 $0x9;
	_ =	strace $0x80000051  }
0xbb: {  	_ =	swait.ge [sflag:s29], $0x1  }
0xbc: {  	[sflag:s29] =	ssyncadd.s32 $0xFFFFFFFF  }
0xbd: {  	_ =	strace $0x90000051  }
0xbe: {  	_ =	sfence  }
0xbf: {  	s30 =	sld [smem:$0x0];
	_ =	sdelay $0x2  }
0xc0: {  	s31 =	sshll.u32 s1, $0xD;
	s1 =	sshrl.u32 s1, $0x2  }
0xc1: {  	s3 =	sand.u32 $0x4000, s31;
	s1 =	sadd.s32 s1, s30  }
0xc2: {  	s0 =	sor.u32 s3, s0;
	s1 =	sshll.u32 s1, $0x11  }
0xc3: {  	s0 =	sor.u32 s1, s0  }
0xc4: {  	s0 =	sadd.s32 $0x8F2B, s0  }
0xc5: {  	[sflag:s0] =	ssyncadd.remote.s32 $0x1  }
0xc6: {  	_ =	sfence.sel $0xFFFF  }
0xc7: {  	[dreg:$0x0] =	wrdreg $0xFFFFFFFF;
	(pc) =	sbr.abs _section_cstart, $3  }
0xc8: {  	[dreg:$0x1] =	wrdreg $0xFFFFFFFF  }
0xc9: {  	_ =	task.clear_ibuf [dreg:s8], $0x2FFFF;
	_ =	strace $0x9FFFFFFF  }
0xca: {  	(tm) =	ssettm $0x7FFFFFFF  }
0xcb: {  	_ =	shalt  }
tec
execute0_lowered:
.L_overlay_start_1:
0x0: {  	(tag) =	ssettag $0x1  }
0x1: {  	s6 =	rddreg [dreg:$0x0]  }
0x2: {  	s7 =	rddreg [dreg:$0x1]  }
0x3: {  	s1 =	rddreg [dreg:$0x2]  }
0x4: {  	s3 =	rddreg [dreg:$0x3]  }
0x5: {  	s0 =	rddreg [dreg:$0x4]  }
0x6: {  	s4 =	simm.s32 $0x0;
	s2 =	stileid.u32;
	s9 =	srdreg.scid  }
0x7: {  	s16 =	simm.s32 $0x2900;
	s17 =	simm.s32 $0x2800;
	s18 =	simm.s32 $0x6900  }
0x8: {  	s19 =	simm.s32 $0x2880;
	s20 =	simm.s32 $0x1;
	s21 =	simm.s32 $0x3  }
0x9: {  	s22 =	simm.s32 $0x2;
	s23 =	simm.s32 $0x4;
	s8 =	smul.u32 $0x500, s2  }
0xa: {  	s24 =	simm.s32 $0x0;
	[smem:$0x7FF] =	sst s4;
	s10 =	smul.u32 $0x2800, s2  }
0xb: {  	s5 =	sadd.s32 $0xA6E00, s6;
	s9 =	sand.u32 $0x1, s9;
	s13 =	smul.u32 $0x50000, s2  }
0xc: {  	s31 =	sshll.u32 s2, $0x6;
	_ =	strace $0x80000050;
	s28 =	smul.u32 $0x28000, s9  }
0xd: {  	s12 =	sshll.u32 s9, $0x4;
	s9 =	ssub.s32 $0x2, s9;
	s11 =	sadd.s32 s8, s6  }
0xe: {  	s12 =	sor.u32 s2, s12;
	s29 =	sshrl.u32 s9, $0x1;
	s30 =	sshrl.u32 s13, $0x2  }
0xf: {  	s13 =	sor.u32 $0x1C05, s31;
	s8 =	sadd.s32 s10, s28;
	s12 =	smul.u32 $0x500, s12  }
0x10: {  	s10 =	ssub.s32 s9, s29;
	s15 =	sadd.s32 s30, s3;
	s14 =	sadd.s32 s8, s6  }
0x11: {  	s8 =	sadd.s32 $0x1E10, s11;
	s10 =	smax.u32 s10, $0x1;
	s6 =	sadd.s32 s7, s12  }
0x12: {  	s7 =	sadd.s32 $0x1E00, s11;
	s9 =	sadd.s32 $0x56E00, s14;
	s11 =	sadd.s32 $0x1E30, s11  }
0x13: {  	s12 =	simm.s32 $0x5;
	s14 =	sshrl.u32 s15, $0x3;
	s15 =	simm.s32 $0x80  }
.LBB2_1:
0x14: {  	[tilespmem:s4], [sflag:$0x5] =	stream.linear.gather [hbm4b:s6+s4], $0x2800, $0x38;
	[tilespmem:$0x1E900] =	vst v63  }
0x15: {  	_ =	swait.ge [sflag:s12], $0x2800  }
0x16: {  	[sflag:s12] =	ssyncset.done $0x0  }
0x17: {  	[sflag:s12] =	ssyncadd.s32 $0xFFFFD800  }
0x18: {  	[spmem:s14], [sflag:s13] =	dma.local [hbm:s1], $0x2800  }
0x19: {  	_ =	swait.ge [sflag:s12], $0x2800  }
0x1a: {  	[sflag:s12] =	ssyncset.done $0x0  }
0x1b: {  	[sflag:s12] =	ssyncadd.s32 $0xFFFFD800  }
0x1c: {  	[bflag:$0x0] =	sbarrier.arrive $0xFFFF  }
0x1d: {  	[tilespmem:s16], [sflag:$0x1] =	stream.indirect.gather [hbm4b:s5+s15], $0x80, s4, s15, $0xb8;
	[tilespmem:$0x1E900] =	vst v63  }
0x1e: {  	_ = 	snop  }
0x1f: {  	[tilespmem:s17], [sflag:$0x3] =	stream.linear.gather [hbm4b:s7+s4], $0x80, $0x38;
	[tilespmem:$0x1E900] =	vst v63  }
0x20: {  	_ = 	snop  }
0x21: {  	[tilespmem:s18], [sflag:$0x2] =	stream.indirect.gather [hbm4b:s5+s15], $0x80, s15, s15, $0xb8;
	[tilespmem:$0x1E900] =	vst v63  }
0x22: {  	_ = 	snop  }
0x23: {  	[tilespmem:s19], [sflag:$0x4] =	stream.linear.gather [hbm4b:s8+s4], $0x80, $0x38;
	[tilespmem:$0x1E900] =	vst v63  }
0x24: {  	_ =	swait.ge [sflag:s20], $0x4000  }
0x25: {  	[sflag:s20] =	ssyncset.done $0x0  }
0x26: {  	[sflag:s20] =	ssyncadd.s32 $0xFFFFC000  }
0x27: {  	_ =	swait.ge [sflag:s21], $0x80  }
0x28: {  	[sflag:s21] =	ssyncset.done $0x0  }
0x29: {  	[sflag:s21] =	ssyncadd.s32 $0xFFFFFF80  }
0x2a: {  	[spmem:s3] =	stream.indirect.scatter.add.f32 [tilespmem:s16], [sflag:$0x5], $0x80, s17, s15, $0xb8;
	[tilespmem:$0x1E900] =	vst v63  }
0x2b: {  	_ =	swait.ge [sflag:s12], $0x4000  }
0x2c: {  	[sflag:s12] =	ssyncset.done $0x0  }
0x2d: {  	s25 =	simm.s32 $0x100;
	[sflag:s12] =	ssyncadd.s32 $0xFFFFC000  }
0x2e: {  	[tilespmem:s16], [sflag:$0x1] =	stream.indirect.gather [hbm4b:s5+s15], $0x80, s25, s15, $0xb8;
	[tilespmem:$0x1E900] =	vst v63  }
0x2f: {  	s30 =	sadd.s32 $0xFFFFFFF0, s11  }
0x30: {  	[tilespmem:s17], [sflag:$0x3] =	stream.linear.gather [hbm4b:s30+s4], $0x80, $0x38;
	[tilespmem:$0x1E900] =	vst v63  }
0x31: {  	_ =	swait.ge [sflag:s22], $0x4000  }
0x32: {  	[sflag:s22] =	ssyncset.done $0x0  }
0x33: {  	[sflag:s22] =	ssyncadd.s32 $0xFFFFC000  }
0x34: {  	_ =	swait.ge [sflag:s23], $0x80  }
0x35: {  	[sflag:s23] =	ssyncset.done $0x0  }
0x36: {  	[sflag:s23] =	ssyncadd.s32 $0xFFFFFF80  }
0x37: {  	[spmem:s3] =	stream.indirect.scatter.add.f32 [tilespmem:s18], [sflag:$0x5], $0x80, s19, s15, $0xb8;
	[tilespmem:$0x1E900] =	vst v63  }
0x38: {  	_ =	swait.ge [sflag:s12], $0x4000  }
0x39: {  	s31 =	simm.s32 $0x180;
	s26 =	sadd.s32 $0x20, s11;
	[sflag:s12] =	ssyncset.done $0x0  }
0x3a: {  	s28 =	smov.u32 s11;
	s25 =	simm.s32 $0xFFFF6800;
	[sflag:s12] =	ssyncadd.s32 $0xFFFFC000  }
0x3b: {  	[tilespmem:s18], [sflag:$0x2] =	stream.indirect.gather [hbm4b:s5+s15], $0x80, s31, s15, $0xb8;
	[tilespmem:$0x1E900] =	vst v63  }
.LBB2_2:
0x3c: {  	[tilespmem:s19], [sflag:$0x4] =	stream.linear.gather [hbm4b:s28+s4], $0x80, $0x38;
	[tilespmem:$0x1E900] =	vst v63  }
0x3d: {  	s29 =	smov.u32 s25;
	s28 =	smov.u32 s26  }
0x3e: {  	p0 =	sne.s32 s25, $0xFFFFFC00;
	s25 =	sadd.s32 $0x400, s25;
	_ =	swait.ge [sflag:s20], $0x4000  }
0x3f: {  	[sflag:s20] =	ssyncset.done $0x0  }
0x40: {  	[sflag:s20] =	ssyncadd.s32 $0xFFFFC000  }
0x41: {  	_ =	swait.ge [sflag:s21], $0x80  }
0x42: {  	[sflag:s21] =	ssyncset.done $0x0  }
0x43: {  	[sflag:s21] =	ssyncadd.s32 $0xFFFFFF80  }
0x44: {  	[spmem:s3] =	stream.indirect.scatter.add.f32 [tilespmem:s16], [sflag:$0x5], $0x80, s17, s15, $0xb8;
	[tilespmem:$0x1E900] =	vst v63  }
0x45: {  	_ =	swait.ge [sflag:s12], $0x4000  }
0x46: {  	s29 =	sshra.s32 s29, $0x2;
	[sflag:s12] =	ssyncset.done $0x0  }
0x47: {  	s30 =	sadd.s32 $0x2800, s29;
	[sflag:s12] =	ssyncadd.s32 $0xFFFFC000  }
0x48: {  	[tilespmem:s16], [sflag:$0x1] =	stream.indirect.gather [hbm4b:s5+s15], $0x80, s30, s15, $0xb8;
	[tilespmem:$0x1E900] =	vst v63  }
0x49: {  	s30 =	sadd.s32 $0xFFFFFFF0, s26  }
0x4a: {  	[tilespmem:s17], [sflag:$0x3] =	stream.linear.gather [hbm4b:s30+s4], $0x80, $0x38;
	[tilespmem:$0x1E900] =	vst v63  }
0x4b: {  	_ =	swait.ge [sflag:s22], $0x4000  }
0x4c: {  	[sflag:s22] =	ssyncset.done $0x0  }
0x4d: {  	[sflag:s22] =	ssyncadd.s32 $0xFFFFC000  }
0x4e: {  	_ =	swait.ge [sflag:s23], $0x80  }
0x4f: {  	[sflag:s23] =	ssyncset.done $0x0  }
0x50: {  	[sflag:s23] =	ssyncadd.s32 $0xFFFFFF80  }
0x51: {  	[spmem:s3] =	stream.indirect.scatter.add.f32 [tilespmem:s18], [sflag:$0x5], $0x80, s19, s15, $0xb8;
	[tilespmem:$0x1E900] =	vst v63  }
.Ltmp0:
0x52: {  	_ =	swait.ge [sflag:s12], $0x4000;
	(pc) =	sbr.rel @p0 .LBB2_2-.Ltmp0, $4  }
0x53: {  	[sflag:s12] =	ssyncset.done $0x0  }
0x54: {  	s29 =	sadd.s32 $0x2880, s29;
	[sflag:s12] =	ssyncadd.s32 $0xFFFFC000  }
0x55: {  	[tilespmem:s18], [sflag:$0x2] =	stream.indirect.gather [hbm4b:s5+s15], $0x80, s29, s15, $0xb8;
	[tilespmem:$0x1E900] =	vst v63  }
0x56: {  	s26 =	sadd.s32 $0x20, s26  }
0x57: {  	[tilespmem:s19], [sflag:$0x4] =	stream.linear.gather [hbm4b:s28+s4], $0x80, $0x38;
	[tilespmem:$0x1E900] =	vst v63  }
0x58: {  	_ =	swait.ge [sflag:s20], $0x4000  }
0x59: {  	[sflag:s20] =	ssyncset.done $0x0  }
0x5a: {  	[sflag:s20] =	ssyncadd.s32 $0xFFFFC000  }
0x5b: {  	_ =	swait.ge [sflag:s21], $0x80  }
0x5c: {  	[sflag:s21] =	ssyncset.done $0x0  }
0x5d: {  	[sflag:s21] =	ssyncadd.s32 $0xFFFFFF80  }
0x5e: {  	[spmem:s3] =	stream.indirect.scatter.add.f32 [tilespmem:s16], [sflag:$0x5], $0x80, s17, s15, $0xb8;
	[tilespmem:$0x1E900] =	vst v63  }
0x5f: {  	_ =	swait.ge [sflag:s12], $0x4000  }
0x60: {  	[sflag:s12] =	ssyncset.done $0x0  }
0x61: {  	[sflag:s12] =	ssyncadd.s32 $0xFFFFC000  }
0x62: {  	_ =	swait.ge [sflag:s22], $0x4000  }
0x63: {  	[sflag:s22] =	ssyncset.done $0x0  }
0x64: {  	[sflag:s22] =	ssyncadd.s32 $0xFFFFC000  }
0x65: {  	_ =	swait.ge [sflag:s23], $0x80  }
0x66: {  	[sflag:s23] =	ssyncset.done $0x0  }
0x67: {  	[sflag:s23] =	ssyncadd.s32 $0xFFFFFF80  }
0x68: {  	[spmem:s3] =	stream.indirect.scatter.add.f32 [tilespmem:s18], [sflag:$0x5], $0x80, s19, s15, $0xb8;
	[tilespmem:$0x1E900] =	vst v63  }
0x69: {  	_ =	swait.ge [sflag:s12], $0x4000  }
0x6a: {  	s24 =	sadd.s32 $0x1, s24;
	[sflag:s12] =	ssyncset.done $0x0  }
0x6b: {  	p0 =	sne.s32 s24, s10;
	[sflag:s12] =	ssyncadd.s32 $0xFFFFC000  }
.Ltmp1:
0x6c: {  	[bflag:$0x0] =	sbarrier.arrive $0xFFFF;
	(pc) =	sbr.rel @p0 .LBB2_1-.Ltmp1, $4  }
0x6d: {  	[hbm:s9], [sflag:s13] =	dma.local [spmem:s14], $0x2800  }
0x6e: {  	_ =	swait.ge [sflag:s12], $0x2800  }
0x6f: {  	[sflag:s12] =	ssyncset.done $0x0  }
0x70: {  	[sflag:s12] =	ssyncadd.s32 $0xFFFFD800  }
0x71: {  	_ =	sfence.sel $0x180000  }
0x72: {  	[bflag:$0x0] =	sbarrier.arrive $0xFFFF  }
0x73: {  	p0 =	sne.s32 s2, $0x0;
	_ =	strace $0x90000050  }
0x74: {  	s0 =	sadd.s32 @!p0 $0x100000, s0;
	[bflag:$0x2] =	sbarrier.arrive $0xFFFF  }
0x75: {  	[sflag:s0] =	ssyncadd.tile.s32 @!p0 $0x1;
	_ =	shalt  }
.Lfunc_end2:
_tile_overlayer_lowered:
.L_overlay_start_2:
0x76: {  	(tag) =	ssettag $0x2  }
0x77: {  	s0 =	rddreg [dreg:$0x0];
	s2 =	stileid.u32  }
0x78: {  	s1 =	rddreg [dreg:$0x1];
	p0 =	sne.s32 s2, $0x0  }
0x79: {  	s3 =	rddreg [dreg:$0x2];
	[bflag:$0x3] =	sbarrier.arrive $0xFFFF;
	s2 =	simm.s32 @!p0 $0x1C05  }
0x7a: {  	[timem:s3], [sflag:s2] =	dma.local @!p0 [hbm:s0], s1  }
0x7b: {  	s0 =	simm.s32 @!p0 $0x5  }
0x7c: {  	_ =	swait.ge @!p0 [sflag:s0], s1  }
0x7d: {  	s1 =	ssub.s32 @!p0 $0x0, s1;
	[sflag:s0] =	ssyncset.done @!p0 $0x0  }
0x7e: {  	[sflag:s0] =	ssyncadd.s32 @!p0 s1  }
0x7f: {  	[bflag:$0x3] =	sbarrier.arrive $0xFFFF  }
0x80: {  	_ =	shalt  }

// kernel: kernel.9.cloned.1.call-start
scs
__scs_entry_jumppad:
0x0: {  	(pc) =	sbr.rel $0x88, $3  }
0x1: {  	(tag) =	ssettag $0x0;
	lr =	simm.s32 $0x1  }
0x2: {  	[smem:$0x3F9B] =	sst lr;
	_ =	strace $0xD0000000  }
0x3: {  	_ = 	snop  }
0x4: {  	_ = 	snop  }
0x5: {  	_ = 	snop  }
0x6: {  	_ = 	snop  }
0x7: {  	_ = 	snop  }
__scs_overlays_trampoline_lowered:
0x8: {  	[smem:$0x3FAA] =	sst s0  }
0x9: {  	[smem:$0x3FAB] =	sst s1  }
0xa: {  	[smem:$0x3FAC] =	sst s2  }
0xb: {  	[smem:$0x3FAD] =	sst s3  }
0xc: {  	[smem:$0x3FAE] =	sst s4  }
0xd: {  	[smem:$0x3FAF] =	sst s5  }
0xe: {  	[smem:$0x3FB0] =	sst s6  }
0xf: {  	[smem:$0x3FB1] =	sst s7  }
0x10: {  	[smem:$0x3FB2] =	sst s8  }
0x11: {  	[smem:$0x3FB3] =	sst s9;
	s0 =	simm.s32 @!p0 $0x0  }
0x12: {  	s1 =	sld [smem:$0x3F99];
	s0 =	simm.s32 @p0 $0x1  }
0x13: {  	[smem:$0x3FB4] =	sst s0;
	s0 =	simm.s32 @!p1 $0x0  }
0x14: {  	s2 =	sld [smem:$0x3F98];
	s0 =	simm.s32 @p1 $0x1  }
0x15: {  	[smem:$0x3FB5] =	sst s0;
	s0 =	simm.s32 @!p2 $0x0  }
0x16: {  	s3 =	sld [smem:$0x3FDB];
	s0 =	simm.s32 @p2 $0x1  }
0x17: {  	s4 =	simm.s32 $0x1BF5;
	[smem:$0x3FB7] =	sst s0  }
0x18: {  	s0 =	sld [smem:$0x3F9A];
	_ =	swait.ge [sflag:s4], $0x0  }
0x19: {  	s7 =	sld [smem:$0x3F9B]  }
0x1a: {  	s8 =	sadd.s32 $0xFFFFE003, lr  }
0x1b: {  	s9 =	sadd.s32 $0xFFFFFEF7, lr;
	s5 =	simm.s32 $0xFFFFFFFF;
	p2 =	slt.u32 s8, $0xFFFFF086  }
0x1c: {  	p1 =	slt.u32 s9, $0xF7A;
	s5 =	simm.s32 @!p2 $0x0  }
0x1d: {  	s5 =	simm.s32 @p1 $0x1;
	p0 =	seq.s32 s7, s2  }
0x1e: {  	s7 =	smul.u32 @!p0 $0xF7A, s2;
	p2 =	seq.s32 @!p0 s5, $0x0  }
0x1f: {  	s9 =	smul.u32 $0xF7A, s1;
	s8 =	simm.s32 @!p0 $0x1BF5;
	p2 =	por !p2, p0  }
0x20: {  	[sflag:s8] =	ssyncset.s32 @!p0 $0xFFFFF086;
	s6 =	sadd.s32 @!p0 s3, s7;
	s7 =	simm.s32 @!p0 $0x108  }
0x21: {  	s3 =	sadd.s32 s3, s9;
	s6 =	sadd.s32 @!p0 $0x88, s6;
	s7 =	simm.s32 @p2 $0x1082  }
0x22: {  	[simem:s7], [sflag:s8] =	dma.local @!p0 [hbm:s6], $0xF7A  }
0x23: {  	s9 =	sor.u32 $0xD0000000, s2;
	s6 =	simm.s32 $0x108;
	_ =	swait.ge @!p0 [sflag:s8], $0x0  }
0x24: {  	s3 =	sadd.s32 $0x88, s3;
	s6 =	simm.s32 @!p1 $0x1082;
	[sflag:s4] =	ssyncset.s32 $0xFFFFF086  }
0x25: {  	[simem:s6], [sflag:s4] =	dma.local [hbm:s3], $0xF7A  }
0x26: {  	[smem:$0x3F9B] =	sst s1;
	(tag) =	ssettag s2;
	_ =	strace s9  }
0x27: {  	s1 =	sld [smem:$0x3FAB]  }
0x28: {  	s2 =	sld [smem:$0x3FAC]  }
0x29: {  	s4 =	sld [smem:$0x3FAE]  }
0x2a: {  	p0 =	seq.s32 s5, $0x0;
	s5 =	sld [smem:$0x3FAF]  }
0x2b: {  	s6 =	sld [smem:$0x3FB0]  }
0x2c: {  	s7 =	sld [smem:$0x3FB1]  }
0x2d: {  	s3 =	simm.s32 $0x108;
	s8 =	sld [smem:$0x3FB2]  }
0x2e: {  	s3 =	simm.s32 @!p0 $0x1082;
	s9 =	sld [smem:$0x3FB3]  }
0x2f: {  	lr =	sadd.s32 s0, s3;
	s0 =	sld [smem:$0x3FAA]  }
0x30: {  	s3 =	sld [smem:$0x3FAD]  }
0x31: {  	[smem:$0x3FB6] =	sst s10  }
0x32: {  	s10 =	sld [smem:$0x3FB4];
	_ =	sdelay $0x3  }
0x33: {  	p0 =	seq.s32 s10, $0x1;
	s10 =	sld [smem:$0x3FB6];
	_ =	sdelay $0x3  }
0x34: {  	[smem:$0x3FB6] =	sst s10  }
0x35: {  	s10 =	sld [smem:$0x3FB5];
	_ =	sdelay $0x3  }
0x36: {  	p1 =	seq.s32 s10, $0x1;
	s10 =	sld [smem:$0x3FB6];
	_ =	sdelay $0x3  }
0x37: {  	[smem:$0x3FB6] =	sst s10  }
0x38: {  	s10 =	sld [smem:$0x3FB7]  }
0x39: {  	_ = 	snop;
	(pc) =	sbr.ind lr, $3  }
0x3a: {  	_ = 	snop  }
0x3b: {  	_ = 	snop  }
0x3c: {  	p2 =	seq.s32 s10, $0x1;
	s10 =	sld [smem:$0x3FB6]  }
0x3d: {  	_ =	shalt  }
0x3e: {  	_ =	shalt  }
0x3f: {  	_ =	shalt  }
0x40: {  	_ =	shalt  }
0x41: {  	_ =	shalt  }
0x42: {  	_ =	shalt  }
0x43: {  	_ =	shalt  }
0x44: {  	_ =	shalt  }
0x45: {  	_ =	shalt  }
0x46: {  	_ =	shalt  }
0x47: {  	_ =	shalt  }
0x48: {  	_ =	shalt  }
0x49: {  	_ =	shalt  }
0x4a: {  	_ =	shalt  }
0x4b: {  	_ =	shalt  }
0x4c: {  	_ =	shalt  }
0x4d: {  	_ =	shalt  }
0x4e: {  	_ =	shalt  }
0x4f: {  	_ =	shalt  }
0x50: {  	_ =	shalt  }
0x51: {  	_ =	shalt  }
0x52: {  	_ =	shalt  }
0x53: {  	_ =	shalt  }
0x54: {  	_ =	shalt  }
0x55: {  	_ =	shalt  }
0x56: {  	_ =	shalt  }
0x57: {  	_ =	shalt  }
0x58: {  	_ =	shalt  }
0x59: {  	_ =	shalt  }
0x5a: {  	_ =	shalt  }
0x5b: {  	_ =	shalt  }
0x5c: {  	_ =	shalt  }
0x5d: {  	_ =	shalt  }
0x5e: {  	_ =	shalt  }
0x5f: {  	_ =	shalt  }
0x60: {  	_ =	shalt  }
0x61: {  	_ =	shalt  }
0x62: {  	_ =	shalt  }
0x63: {  	_ =	shalt  }
0x64: {  	_ =	shalt  }
0x65: {  	_ =	shalt  }
0x66: {  	_ =	shalt  }
0x67: {  	_ =	shalt  }
0x68: {  	_ =	shalt  }
0x69: {  	_ =	shalt  }
0x6a: {  	_ =	shalt  }
0x6b: {  	_ =	shalt  }
0x6c: {  	_ =	shalt  }
0x6d: {  	_ =	shalt  }
0x6e: {  	_ =	shalt  }
0x6f: {  	_ =	shalt  }
0x70: {  	_ =	shalt  }
0x71: {  	_ =	shalt  }
0x72: {  	_ =	shalt  }
0x73: {  	_ =	shalt  }
0x74: {  	_ =	shalt  }
0x75: {  	_ =	shalt  }
0x76: {  	_ =	shalt  }
0x77: {  	_ =	shalt  }
0x78: {  	_ =	shalt  }
0x79: {  	_ =	shalt  }
0x7a: {  	_ =	shalt  }
0x7b: {  	_ =	shalt  }
0x7c: {  	_ =	shalt  }
0x7d: {  	_ =	shalt  }
0x7e: {  	_ =	shalt  }
0x7f: {  	_ =	shalt  }
0x80: {  	_ =	shalt  }
0x81: {  	_ =	shalt  }
0x82: {  	_ =	shalt  }
0x83: {  	_ =	shalt  }
0x84: {  	_ =	shalt  }
0x85: {  	_ =	shalt  }
0x86: {  	_ =	shalt  }
0x87: {  	_ =	shalt  }
.Lfunc_end0:
.L_simem_size_0:
called_computation_lowered:
.L_overlay_start_0:
0x88: {  	s2 =	sld [smem:$0x3FD9]  }
0x89: {  	s3 =	sld [smem:$0x3FFE];
	_ =	sdelay $0x1  }
0x8a: {  	s1 =	srdreg.scid  }
0x8b: {  	s0 =	sand.u32 $0x1, s1  }
0x8c: {  	s15 =	sshll.u32 s0, $0xA;
	s2 =	sadd.s32 s3, s2  }
0x8d: {  	s2 =	sadd.s32 s2, s15  }
0x8e: {  	[smem:$0x3FC2] =	sst s2  }
0x8f: {  	_ = 	snop  }
0x90: {  	s2 =	sld [smem:$0x3FD0];
	_ =	sdelay $0x2  }
0x91: {  	s16 =	simm.s32 $0xA;
	s4 =	simm.s32 $0x10  }
0x92: {  	[smem:s4], [sflag:s16] =	dma.local [hbm:s2], $0x1  }
0x93: {  	_ =	swait.eq [sflag:s16], $0x1  }
0x94: {  	[sflag:s16] =	ssyncset.done $0x0  }
0x95: {  	s17 =	sld [smem:$0x10];
	[sflag:s16] =	ssyncadd.s32 $0xFFFFFFFF  }
0x96: {  	s18 =	sld [smem:$0x11];
	(tm) =	ssettm $0x1  }
0x97: {  	s19 =	sld [smem:$0x3FFB];
	_ =	sdelay $0x3  }
0x98: {  	_ =	strace s19  }
0x99: {  	s4 =	sld [smem:$0x3FFC];
	_ =	sdelay $0x3  }
0x9a: {  	_ =	strace s4  }
0x9b: {  	s4 =	sld [smem:$0x3FFD];
	_ =	sdelay $0x3  }
0x9c: {  	_ =	strace s4  }
0x9d: {  	_ =	strace $0x8FFFFFFF  }
0x9e: {  	s20 =	sld [smem:$0x3FDB];
	_ =	sdelay $0x1  }
0x9f: {  	s5 =	simm.s32 $_scs_section_size  }
0xa0: {  	s6 =	simm.s32 $_size__tile_overlayer_lowered;
	s7 =	simm.s32 $_tile_overlayer_lowered  }
0xa1: {  	s23 =	simm.s32 $0x1BFF;
	s22 =	sshll.u32 s7, $0x1;
	s4 =	sadd.s32 s5, s20  }
0xa2: {  	s8 =	simm.s32 $0x0;
	s21 =	sshll.u32 s6, $0x1;
	s6 =	sadd.s32 s22, s4  }
0xa3: {  	[timem:s8], [sflag:s23] =	dma.local [hbm:s6], s21  }
0xa4: {  	_ =	swait.ge [sflag:s23], s21  }
0xa5: {  	s5 =	ssub.s32 $0x0, s21;
	[sflag:s23] =	ssyncset.done $0x0  }
0xa6: {  	[sflag:s23] =	ssyncadd.s32 s5;
	_ =	sdelay $0x1  }
0xa7: {  	s24 =	simm.s32 $0x1B8B  }
0xa8: {  	_ =	swait.ge [sflag:s24], $0x1  }
0xa9: {  	[sflag:s24] =	ssyncset.done $0x0  }
0xaa: {  	s25 =	simm.s32 $0x1B8E;
	[sflag:s24] =	ssyncadd.s32 $0xFFFFFFFF  }
0xab: {  	s26 =	simm.s32 $execute0_lowered;
	[smem:$0x3FD2] =	sst s25  }
0xac: {  	s5 =	sshll.u32 s26, $0x1;
	_ =	strace $0x80000046;
	[dreg:$0x1] =	wrdreg $0xFFFFFFFF  }
0xad: {  	s28 =	simm.s32 $_size_execute0_lowered;
	s4 =	sadd.s32 s4, s5;
	[dreg:$0x0] =	wrdreg $0x0  }
0xae: {  	s5 =	sshll.u32 s28, $0x1;
	[dreg:$0x2] =	wrdreg s4  }
0xaf: {  	[dreg:$0x3] =	wrdreg s5  }
0xb0: {  	[dreg:$0x4] =	wrdreg $0xC0  }
0xb1: {  	_ =	task [dreg:s8], $0x5FFFF  }
0xb2: {  	[dreg:$0x1] =	wrdreg $0xFFFFFFFF  }
0xb3: {  	[dreg:$0x0] =	wrdreg $0x60  }
0xb4: {  	[dreg:$0x2] =	wrdreg s18  }
0xb5: {  	[dreg:$0x3] =	wrdreg s17  }
0xb6: {  	[dreg:$0x4] =	wrdreg $0x9  }
0xb7: {  	_ =	task.clear_ibuf [dreg:s8], $0x5FFFF;
	_ =	strace $0x90000046  }
0xb8: {  	s29 =	simm.s32 $0x9;
	_ =	strace $0x80000048  }
0xb9: {  	_ =	swait.ge [sflag:s29], $0x1  }
0xba: {  	[sflag:s29] =	ssyncadd.s32 $0xFFFFFFFF  }
0xbb: {  	_ =	strace $0x90000048  }
0xbc: {  	_ =	sfence  }
0xbd: {  	s30 =	sld [smem:$0x0];
	_ =	sdelay $0x2  }
0xbe: {  	s31 =	sshll.u32 s1, $0xD;
	s1 =	sshrl.u32 s1, $0x2  }
0xbf: {  	s3 =	sand.u32 $0x4000, s31;
	s1 =	sadd.s32 s1, s30  }
0xc0: {  	s0 =	sor.u32 s3, s0;
	s1 =	sshll.u32 s1, $0x11  }
0xc1: {  	s0 =	sor.u32 s1, s0  }
0xc2: {  	s0 =	sadd.s32 $0x8F2B, s0  }
0xc3: {  	[sflag:s0] =	ssyncadd.remote.s32 $0x1  }
0xc4: {  	_ =	sfence.sel $0xFFFF  }
0xc5: {  	[dreg:$0x0] =	wrdreg $0xFFFFFFFF;
	(pc) =	sbr.abs _section_cstart, $3  }
0xc6: {  	[dreg:$0x1] =	wrdreg $0xFFFFFFFF  }
0xc7: {  	_ =	task.clear_ibuf [dreg:s8], $0x2FFFF;
	_ =	strace $0x9FFFFFFF  }
0xc8: {  	(tm) =	ssettm $0x7FFFFFFF  }
0xc9: {  	_ =	shalt  }
tec
execute0_lowered:
.L_overlay_start_1:
0x0: {  	(tag) =	ssettag $0x1  }
0x1: {  	s0 =	srdreg.scid  }
0x2: {  	s3 =	sand.u32 $0x1, s0  }
0x3: {  	s4 =	rddreg [dreg:$0x0];
	s0 =	stileid.u32;
	s1 =	sshll.u32 s3, $0x4  }
0x4: {  	s5 =	rddreg [dreg:$0x1];
	s2 =	simm.s32 $0x0;
	s6 =	sor.u32 s0, s1  }
0x5: {  	s9 =	simm.s32 $0x1400;
	s10 =	simm.s32 $0x0;
	s7 =	sshrl.u32 s6, $0x3  }
0x6: {  	[smem:$0x7FF] =	sst s2;
	s8 =	sshll.u32 s0, $0x7;
	s7 =	smul.u32 $0xA000, s7  }
0x7: {  	s3 =	ssub.s32 $0x2, s3;
	s1 =	rddreg [dreg:$0x2];
	s8 =	sand.u32 $0x380, s8  }
0x8: {  	s31 =	sshrl.u32 s3, $0x1;
	s6 =	smul.u32 $0x500, s6;
	s7 =	sor.u32 s8, s7  }
0x9: {  	_ =	strace $0x80000047;
	s8 =	ssub.s32 s3, s31;
	s7 =	sshrl.u32 s7, $0x3  }
0xa: {  	s3 =	sadd.s32 s4, s7;
	s4 =	sadd.s32 s5, s6;
	s5 =	smax.u32 s8, $0x1  }
0xb: {  	v0 =	vimm.f32 $0.0e+00;
	v1 =	vimm.f32 $1.000000000e+00;
	s6 =	simm.s32 $0x80;
	s7 =	simm.s32 $0x400;
	s8 =	simm.s32 $0x1  }
.LBB2_1:
0xc: {  	[tilespmem:s2], [sflag:$0x1] =	stream.strided.gather [hbm4b:s3+s6], $0x1400, s7, s6, $0x38;
	[tilespmem:$0x3C00] =	vst v63  }
0xd: {  	_ =	swait.ge [sflag:s8], $0x1400  }
0xe: {  	[sflag:s8] =	ssyncset.done $0x0  }
0xf: {  	s11 =	simm.s32 $0x0;
	[sflag:s8] =	ssyncadd.s32 $0xFFFFEC00  }
.LBB2_2:
0x10: {  	p0 =	sne.s32 s11, $0x9FC0  }
.Ltmp0:
0x11: {  	_ = 	snop;
	(pc) =	sbr.rel @p0 .LBB2_2-.Ltmp0, $3  }
0x12: {  	_ =	sdelay $0x1  }
0x13: {  	s12 =	sshra.s32 s11, $0x2  }
0x14: {  	s11 =	sadd.s32 $0x40, s11;
	[tilespmem:s12+$0x1400] =	vst v0  }
0x15: {  	s12 =	simm.s32 $0x0;
	s11 =	simm.s32 $0x40  }
.LBB2_4:
0x16: {  	p0 =	sne.s32 s11, $0x4FC0;
	v2 =	vld [tilespmem:s12+$0x0];
	_ =	sdelay $0x3  }
.Ltmp1:
0x17: {  	(pc) =	sbr.rel @p0 .LBB2_4-.Ltmp1, $2  }
0x18: {  	_ =	sdelay $0x2  }
0x19: {  	s12 =	sshra.s32 s11, $0x2;
	s11 =	sadd.s32 $0x40, s11;
	[tilespmem:v2+s9+$0x0] =	vst.idx.add.f32.msk $0xffff, v1  }
0x1a: {  	v2 =	vld [tilespmem:s12+$0x0];
	_ =	sdelay $0x5  }
0x1b: {  	s10 =	sadd.s32 $0x1, s10  }
0x1c: {  	p0 =	sne.s32 s10, s5  }
.Ltmp2:
0x1d: {  	[tilespmem:v2+s9+$0x0] =	vst.idx.add.f32.msk $0xffff, v1;
	(pc) =	sbr.rel @p0 .LBB2_1-.Ltmp2, $4  }
0x1e: {  	[hbm4b:s4+s2] =	stream.linear.scatter [tilespmem:s9], [sflag:$0x1], $0x2800, $0x38;
	[tilespmem:$0x3C00] =	vst v63  }
0x1f: {  	_ =	swait.ge [sflag:s8], $0x2800  }
0x20: {  	[sflag:s8] =	ssyncset.done $0x0  }
0x21: {  	[sflag:s8] =	ssyncadd.s32 $0xFFFFD800  }
0x22: {  	_ =	sfence.sel $0x180000  }
0x23: {  	[bflag:$0x0] =	sbarrier.arrive $0xFFFF  }
0x24: {  	p0 =	sne.s32 s0, $0x0;
	_ =	strace $0x90000047  }
0x25: {  	s0 =	sadd.s32 @!p0 $0x100000, s1;
	[bflag:$0x2] =	sbarrier.arrive $0xFFFF  }
0x26: {  	[sflag:s0] =	ssyncadd.tile.s32 @!p0 $0x1;
	_ =	shalt  }
.Lfunc_end2:
_tile_overlayer_lowered:
.L_overlay_start_2:
0x27: {  	(tag) =	ssettag $0x2  }
0x28: {  	s0 =	rddreg [dreg:$0x0];
	s2 =	stileid.u32  }
0x29: {  	s1 =	rddreg [dreg:$0x1];
	p0 =	sne.s32 s2, $0x0  }
0x2a: {  	s3 =	rddreg [dreg:$0x2];
	[bflag:$0x3] =	sbarrier.arrive $0xFFFF;
	s2 =	simm.s32 @!p0 $0x1C01  }
0x2b: {  	[timem:s3], [sflag:s2] =	dma.local @!p0 [hbm:s0], s1  }
0x2c: {  	s0 =	simm.s32 @!p0 $0x1  }
0x2d: {  	_ =	swait.ge @!p0 [sflag:s0], s1  }
0x2e: {  	s1 =	ssub.s32 @!p0 $0x0, s1;
	[sflag:s0] =	ssyncset.done @!p0 $0x0  }
0x2f: {  	[sflag:s0] =	ssyncadd.s32 @!p0 s1  }
0x30: {  	[bflag:$0x3] =	sbarrier.arrive $0xFFFF  }
0x31: {  	_ =	shalt  }

</sc_bundles>
